<compile_context>
chip_gen: v7x
topology: tpu7x:2x2x1
jax: 0.10.2.dev20260603
libtpu: 0.0.44.dev20260713+nightly
codegen_flags: <defaults>
</compile_context>

<pallas_src>
import functools

import jax
import jax.numpy as jnp
from jax import lax
from jax.experimental import pallas as pl
from jax.experimental.pallas import tpu as pltpu
from jax.experimental.pallas import tpu_sc as plsc

_N = 10000
_E = 320000
_D = 128
_H = _D // 2
_ALPHA = 0.5

_NC = 2
_NS = 16
_C = 80
_EPT = _E // _NS
_CHUNKS = _EPT // _C
_RPT = 624
_RTAIL = _N - _NS * _RPT


def _sc_aggregate(x0, x1, idx, zer_nh, zer_n):
    mesh = plsc.VectorSubcoreMesh(core_axis_name="c", subcore_axis_name="s")

    @functools.partial(
        pl.kernel,
        out_type=(
            jax.ShapeDtypeStruct((_NC, 2, _N, _H), jnp.float32),
            jax.ShapeDtypeStruct((_NC, _N), jnp.float32),
        ),
        mesh=mesh,
        compiler_params=pltpu.CompilerParams(use_tc_tiling_on_sc=False),
        scratch_types=[
            pltpu.VMEM((_CHUNKS, _C), jnp.int32),
            pltpu.VMEM((_CHUNKS, _C), jnp.int32),
            pltpu.VMEM((_C, _H), jnp.float32),
            pltpu.VMEM((_C, _H), jnp.float32),
            pltpu.VMEM((_C,), jnp.float32),
            pltpu.VMEM_SHARED((_N, _H), jnp.float32),
            pltpu.VMEM_SHARED((_N,), jnp.float32),
            pltpu.SemaphoreType.DMA,
            pltpu.SemaphoreType.DMA,
            pltpu.SemaphoreType.DMA,
            pltpu.SemaphoreType.DMA,
            pltpu.SemaphoreType.DMA,
        ],
    )
    def k(x0_hbm, x1_hbm, idx_hbm, zer_nh_hbm, zer_n_hbm,
          acc_out, cnt_out, gslab, sslab, rows0, rows1, ones_v, acc_sh, cnt_sh,
          sg0, sg1, ss0, ss1, scn):
        cid = lax.axis_index("c")
        sid = lax.axis_index("s")

        pltpu.sync_copy(idx_hbm.at[cid, sid], gslab)
        pltpu.sync_copy(idx_hbm.at[1 - cid, sid], sslab)

        for j in range(_C // 16):
            ones_v[pl.ds(16 * j, 16)] = jnp.ones((16,), jnp.float32)

        r0 = sid * _RPT

        for p, xp_hbm in enumerate((x0_hbm, x1_hbm)):
            pltpu.sync_copy(zer_nh_hbm.at[pl.ds(r0, _RPT)],
                            acc_sh.at[pl.ds(r0, _RPT)])

            @pl.when(sid == 0)
            def _():
                pltpu.sync_copy(zer_nh_hbm.at[pl.ds(_NS * _RPT, _RTAIL)],
                                acc_sh.at[pl.ds(_NS * _RPT, _RTAIL)])
                if p == 0:
                    pltpu.sync_copy(zer_n_hbm, cnt_sh)

            plsc.subcore_barrier()

            def g_start(kk, rows, sg):
                pltpu.async_copy(xp_hbm.at[gslab.at[kk]], rows, sg)

            def g_wait(kk, rows, sg):
                pltpu.make_async_copy(xp_hbm.at[gslab.at[kk]], rows, sg).wait()

            def s_start(kk, rows, ss):
                pltpu.async_copy(rows, acc_sh.at[sslab.at[kk]], ss, add=True)

            def s_wait(kk, rows, ss):
                pltpu.make_async_copy(rows, acc_sh.at[sslab.at[kk]], ss).wait()

            def c_start(kk):
                pltpu.async_copy(ones_v, cnt_sh.at[sslab.at[kk]], scn, add=True)

            def c_wait(kk):
                pltpu.make_async_copy(ones_v, cnt_sh.at[sslab.at[kk]], scn).wait()

            g_start(0, rows0, sg0)
            g_start(1, rows1, sg1)

            def body(i, _):
                k0 = 2 * i
                k1 = k0 + 1
                g_wait(k0, rows0, sg0)
                s_start(k0, rows0, ss0)
                g_wait(k1, rows1, sg1)
                s_start(k1, rows1, ss1)
                if p == 0:
                    @pl.when(i > 0)
                    def _():
                        c_wait(k0)
                        c_wait(k1)
                    c_start(k0)
                    c_start(k1)
                s_wait(k0, rows0, ss0)
                g_start(k0 + 2, rows0, sg0)
                s_wait(k1, rows1, ss1)
                g_start(k1 + 2, rows1, sg1)
                return 0

            lax.fori_loop(0, _CHUNKS // 2 - 1, body, 0)

            kl0, kl1 = _CHUNKS - 2, _CHUNKS - 1
            g_wait(kl0, rows0, sg0)
            s_start(kl0, rows0, ss0)
            g_wait(kl1, rows1, sg1)
            s_start(kl1, rows1, ss1)
            if p == 0:
                c_start(kl0)
                c_start(kl1)
                for _i in range(4):
                    c_wait(kl0)
            s_wait(kl0, rows0, ss0)
            s_wait(kl1, rows1, ss1)

            plsc.subcore_barrier()

            pltpu.sync_copy(acc_sh.at[pl.ds(r0, _RPT)],
                            acc_out.at[cid, p, pl.ds(r0, _RPT)])

            @pl.when(sid == 0)
            def _():
                pltpu.sync_copy(acc_sh.at[pl.ds(_NS * _RPT, _RTAIL)],
                                acc_out.at[cid, p, pl.ds(_NS * _RPT, _RTAIL)])
                if p == 0:
                    pltpu.sync_copy(cnt_sh, cnt_out.at[cid])

            plsc.subcore_barrier()

    return k(x0, x1, idx, zer_nh, zer_n)


_BLK = 1000


def _tc_body(x_ref, a00_ref, a01_ref, a10_ref, a11_ref, c0_ref, c1_ref,
             wm_ref, w0a_ref, w0b_ref, w1a_ref, w1b_ref, b_ref, o_ref):
    f32 = jnp.float32
    r0 = 1.0 / jnp.maximum(c0_ref[...], 1.0)
    r1 = 1.0 / jnp.maximum(c1_ref[...], 1.0)
    o = jnp.dot(x_ref[...], wm_ref[...], preferred_element_type=f32)
    o += jnp.dot(a00_ref[...] * r0, w0a_ref[...], preferred_element_type=f32)
    o += jnp.dot(a01_ref[...] * r0, w0b_ref[...], preferred_element_type=f32)
    o += jnp.dot(a10_ref[...] * r1, w1a_ref[...], preferred_element_type=f32)
    o += jnp.dot(a11_ref[...] * r1, w1b_ref[...], preferred_element_type=f32)
    o_ref[...] = o + b_ref[...]


def _tc_combine(x, a00, a01, a10, a11, c0, c1, wm, w0a, w0b, w1a, w1b, b):
    grid = (_N // _BLK,)
    half = pl.BlockSpec((_BLK, _H), lambda i: (i, 0))
    full = pl.BlockSpec((_BLK, _D), lambda i: (i, 0))
    col = pl.BlockSpec((_BLK, 1), lambda i: (i, 0))
    wfull = pl.BlockSpec((_D, _D), lambda i: (0, 0))
    whalf = pl.BlockSpec((_H, _D), lambda i: (0, 0))
    brow = pl.BlockSpec((1, _D), lambda i: (0, 0))
    return pl.pallas_call(
        _tc_body,
        grid=grid,
        in_specs=[full, half, half, half, half, col, col,
                  wfull, whalf, whalf, whalf, whalf, brow],
        out_specs=full,
        out_shape=jax.ShapeDtypeStruct((_N, _D), jnp.float32),
    )(x, a00, a01, a10, a11, c0, c1, wm, w0a, w0b, w1a, w1b, b)


def kernel(x, edge_index, W_self, b_self, W_s2d, b_s2d, W_d2s, b_d2s):
    idx = edge_index.reshape(_NC, _NS, _CHUNKS, _C)
    x0 = x[:, :_H]
    x1 = x[:, _H:]
    zer_nh = jnp.zeros((_N, _H), jnp.float32)
    zer_n = jnp.zeros((_N,), jnp.float32)

    acc, cnt = _sc_aggregate(x0, x1, idx, zer_nh, zer_n)

    wm = W_self.T
    w0 = (1.0 - _ALPHA) * W_s2d.T
    w1 = _ALPHA * W_d2s.T
    b = (b_self + (1.0 - _ALPHA) * b_s2d + _ALPHA * b_d2s).reshape(1, _D)
    return _tc_combine(x, acc[0, 0], acc[0, 1], acc[1, 0], acc[1, 1],
                       cnt[0].reshape(_N, 1), cnt[1].reshape(_N, 1),
                       wm, w0[:_H], w0[_H:], w1[:_H], w1[_H:], b)

# --- scband reference (transcript-rebuilt; emitter-appended) ---
"""Pipeline reference for scband-dir-sageconv-62723702391594 (READ-ONLY COPY).

The authoritative reference and input builder live on the scoring server;
editing this copy changes nothing except your own understanding.
"""

import jax, jax.numpy as jnp
import numpy as np

N = 10000
E = 320000
D_IN = 128
D_OUT = 128
ALPHA = 0.5


def setup_inputs(seed: int = 0) -> dict:
    key = jax.random.key(seed)
    ks = jax.random.split(key, 8)
    x = jax.random.normal(ks[0], (N, D_IN), dtype=jnp.float32)
    edge_index = jax.random.randint(ks[1], (2, E), 0, N, dtype=jnp.int32)
    s = 1.0 / np.sqrt(D_IN)
    W_self = jax.random.uniform(ks[2], (D_OUT, D_IN), minval=-s, maxval=s, dtype=jnp.float32)
    b_self = jax.random.uniform(ks[3], (D_OUT,), minval=-s, maxval=s, dtype=jnp.float32)
    W_s2d = jax.random.uniform(ks[4], (D_OUT, D_IN), minval=-s, maxval=s, dtype=jnp.float32)
    b_s2d = jax.random.uniform(ks[5], (D_OUT,), minval=-s, maxval=s, dtype=jnp.float32)
    W_d2s = jax.random.uniform(ks[6], (D_OUT, D_IN), minval=-s, maxval=s, dtype=jnp.float32)
    b_d2s = jax.random.uniform(ks[7], (D_OUT,), minval=-s, maxval=s, dtype=jnp.float32)
    return {"x": x, "edge_index": edge_index, "W_self": W_self, "b_self": b_self,
            "W_s2d": W_s2d, "b_s2d": b_s2d, "W_d2s": W_d2s, "b_d2s": b_d2s}


def _mean_agg(x, gather_idx, scatter_idx):
    # SAGEConv with aggr='mean', root_weight=False: mean of neighbor features
    msg = jnp.take(x, gather_idx, axis=0)  # gather [E, D_IN]
    summed = jax.ops.segment_sum(msg, scatter_idx, num_segments=N)
    cnt = jax.ops.segment_sum(jnp.ones((gather_idx.shape[0],), dtype=x.dtype), scatter_idx, num_segments=N)
    return summed / jnp.clip(cnt, 1.0, None)[:, None]


def reference(x, edge_index, W_self, b_self, W_s2d, b_s2d, W_d2s, b_d2s):
    src = edge_index[0]
    dst = edge_index[1]
    # flow='source_to_target': aggregate x[src] at dst nodes
    agg_s2d = _mean_agg(x, src, dst)
    # flow='target_to_source': aggregate x[dst] at src nodes
    agg_d2s = _mean_agg(x, dst, src)
    out = (x @ W_self.T + b_self
           + (1.0 - ALPHA) * (agg_s2d @ W_s2d.T + b_s2d)
           + ALPHA * (agg_d2s @ W_d2s.T + b_d2s))
    return out

if __name__ == "__main__":
    import jax
    _d = setup_inputs()
    print(jax.jit(kernel)(*tuple(_d.values())))

</pallas_src>

<mosaic_0001>
#map = affine_map<(d0, d1) -> (0, 0)>
#map1 = affine_map<(d0, d1) -> (0, 0, 0, 0)>
#map2 = affine_map<(d0, d1) -> (0)>
module attributes {stable_mosaic.version = 14 : i64} {
  func.func @k(%arg0: i32, %arg1: i32, %arg2: memref<10000x64xf32, #tpu.memory_space<hbm>>, %arg3: memref<10000x64xf32, #tpu.memory_space<hbm>>, %arg4: memref<2x16x250x80xi32, #tpu.memory_space<hbm>>, %arg5: memref<10000x64xf32, #tpu.memory_space<hbm>>, %arg6: memref<10000xf32, #tpu.memory_space<hbm>>, %arg7: memref<2x2x10000x64xf32, #tpu.memory_space<hbm>>, %arg8: memref<2x10000xf32, #tpu.memory_space<hbm>>, %arg9: memref<250x80xi32, #tpu.memory_space<vmem>>, %arg10: memref<250x80xi32, #tpu.memory_space<vmem>>, %arg11: memref<80x64xf32, #tpu.memory_space<vmem>>, %arg12: memref<80x64xf32, #tpu.memory_space<vmem>>, %arg13: memref<80xf32, #tpu.memory_space<vmem>>, %arg14: memref<10000x64xf32, #tpu.memory_space<vmem_shared>>, %arg15: memref<10000xf32, #tpu.memory_space<vmem_shared>>, %arg16: memref<!tpu.dma_semaphore, #tpu.memory_space<semaphore_mem>>, %arg17: memref<!tpu.dma_semaphore, #tpu.memory_space<semaphore_mem>>, %arg18: memref<!tpu.dma_semaphore, #tpu.memory_space<semaphore_mem>>, %arg19: memref<!tpu.dma_semaphore, #tpu.memory_space<semaphore_mem>>, %arg20: memref<!tpu.dma_semaphore, #tpu.memory_space<semaphore_mem>>) attributes {dimension_semantics = [#tpu.dimension_semantics<core_parallel>, #tpu.dimension_semantics<subcore_parallel>], iteration_bounds = array<i64: 2, 16>, scalar_prefetch = 0 : i64, scratch_operands = 12 : i64, tpu.core_type = #tpu.core_type<sc_vector_subcore>, window_params = [{transform_indices = #map}, {transform_indices = #map}, {transform_indices = #map1}, {transform_indices = #map}, {transform_indices = #map2}, {transform_indices = #map1}, {transform_indices = #map}]} {
    "tpu.region"() ({
      %run_scoped3A_212 = tpu.sem_alloc : memref<!tpu.dma_semaphore, #tpu.memory_space<semaphore_mem>>
      %dma_start3A_213 = arith.constant 0 : i32
      %dma_start3A_214 = arith.constant 0 : i32
      %dma_start3A_215 = tpu.memref_slice %arg4[%arg0, %arg1, %dma_start3A_213, %dma_start3A_214] : memref<2x16x250x80xi32, #tpu.memory_space<hbm>> -> memref<1x1x250x80xi32, #tpu.memory_space<hbm>>
      %dma_start3A_216 = tpu.memref_squeeze %dma_start3A_215 : memref<1x1x250x80xi32, #tpu.memory_space<hbm>> -> memref<250x80xi32, #tpu.memory_space<hbm>>
      %dma_start3A_217 = arith.constant 0 : i32
      %dma_start3A_218 = arith.constant 0 : i32
      %dma_start3A_219 = tpu.memref_slice %arg4[%arg0, %arg1, %dma_start3A_217, %dma_start3A_218] : memref<2x16x250x80xi32, #tpu.memory_space<hbm>> -> memref<1x1x250x80xi32, #tpu.memory_space<hbm>>
      %dma_start3A_220 = tpu.memref_squeeze %dma_start3A_219 : memref<1x1x250x80xi32, #tpu.memory_space<hbm>> -> memref<250x80xi32, #tpu.memory_space<hbm>>
      tpu.enqueue_dma source(%dma_start3A_220 : memref<250x80xi32, #tpu.memory_space<hbm>>) target(%arg9 : memref<250x80xi32, #tpu.memory_space<vmem>>) target_semaphore(%run_scoped3A_212 : memref<!tpu.dma_semaphore, #tpu.memory_space<semaphore_mem>>)
      %dma_wait3A_221 = arith.constant 0 : i32
      %dma_wait3A_222 = arith.constant 0 : i32
      %dma_wait3A_223 = tpu.memref_slice %arg4[%arg0, %arg1, %dma_wait3A_221, %dma_wait3A_222] : memref<2x16x250x80xi32, #tpu.memory_space<hbm>> -> memref<1x1x250x80xi32, #tpu.memory_space<hbm>>
      %dma_wait3A_224 = tpu.memref_squeeze %dma_wait3A_223 : memref<1x1x250x80xi32, #tpu.memory_space<hbm>> -> memref<250x80xi32, #tpu.memory_space<hbm>>
      %dma_wait3A_225 = arith.constant 0 : i32
      %dma_wait3A_226 = arith.constant 0 : i32
      %dma_wait3A_227 = tpu.memref_slice %arg4[%arg0, %arg1, %dma_wait3A_225, %dma_wait3A_226] : memref<2x16x250x80xi32, #tpu.memory_space<hbm>> -> memref<1x1x250x80xi32, #tpu.memory_space<hbm>>
      %dma_wait3A_228 = tpu.memref_squeeze %dma_wait3A_227 : memref<1x1x250x80xi32, #tpu.memory_space<hbm>> -> memref<250x80xi32, #tpu.memory_space<hbm>>
      tpu.wait_dma2 semaphore(%run_scoped3A_212 : memref<!tpu.dma_semaphore, #tpu.memory_space<semaphore_mem>>) src(%dma_wait3A_228 : memref<250x80xi32, #tpu.memory_space<hbm>>) dst(%arg9 : memref<250x80xi32, #tpu.memory_space<vmem>>)
      tpu.yield
    }) : () -> ()
    %sub3A = arith.constant 1 : i32
    %sub3A_0 = arith.subi %sub3A, %arg0 : i32
    "tpu.region"() ({
      %run_scoped3A_212 = tpu.sem_alloc : memref<!tpu.dma_semaphore, #tpu.memory_space<semaphore_mem>>
      %dma_start3A_213 = arith.constant 0 : i32
      %dma_start3A_214 = arith.constant 0 : i32
      %dma_start3A_215 = tpu.memref_slice %arg4[%sub3A_0, %arg1, %dma_start3A_213, %dma_start3A_214] : memref<2x16x250x80xi32, #tpu.memory_space<hbm>> -> memref<1x1x250x80xi32, #tpu.memory_space<hbm>>
      %dma_start3A_216 = tpu.memref_squeeze %dma_start3A_215 : memref<1x1x250x80xi32, #tpu.memory_space<hbm>> -> memref<250x80xi32, #tpu.memory_space<hbm>>
      %dma_start3A_217 = arith.constant 0 : i32
      %dma_start3A_218 = arith.constant 0 : i32
      %dma_start3A_219 = tpu.memref_slice %arg4[%sub3A_0, %arg1, %dma_start3A_217, %dma_start3A_218] : memref<2x16x250x80xi32, #tpu.memory_space<hbm>> -> memref<1x1x250x80xi32, #tpu.memory_space<hbm>>
      %dma_start3A_220 = tpu.memref_squeeze %dma_start3A_219 : memref<1x1x250x80xi32, #tpu.memory_space<hbm>> -> memref<250x80xi32, #tpu.memory_space<hbm>>
      tpu.enqueue_dma source(%dma_start3A_220 : memref<250x80xi32, #tpu.memory_space<hbm>>) target(%arg10 : memref<250x80xi32, #tpu.memory_space<vmem>>) target_semaphore(%run_scoped3A_212 : memref<!tpu.dma_semaphore, #tpu.memory_space<semaphore_mem>>)
      %dma_wait3A_221 = arith.constant 0 : i32
      %dma_wait3A_222 = arith.constant 0 : i32
      %dma_wait3A_223 = tpu.memref_slice %arg4[%sub3A_0, %arg1, %dma_wait3A_221, %dma_wait3A_222] : memref<2x16x250x80xi32, #tpu.memory_space<hbm>> -> memref<1x1x250x80xi32, #tpu.memory_space<hbm>>
      %dma_wait3A_224 = tpu.memref_squeeze %dma_wait3A_223 : memref<1x1x250x80xi32, #tpu.memory_space<hbm>> -> memref<250x80xi32, #tpu.memory_space<hbm>>
      %dma_wait3A_225 = arith.constant 0 : i32
      %dma_wait3A_226 = arith.constant 0 : i32
      %dma_wait3A_227 = tpu.memref_slice %arg4[%sub3A_0, %arg1, %dma_wait3A_225, %dma_wait3A_226] : memref<2x16x250x80xi32, #tpu.memory_space<hbm>> -> memref<1x1x250x80xi32, #tpu.memory_space<hbm>>
      %dma_wait3A_228 = tpu.memref_squeeze %dma_wait3A_227 : memref<1x1x250x80xi32, #tpu.memory_space<hbm>> -> memref<250x80xi32, #tpu.memory_space<hbm>>
      tpu.wait_dma2 semaphore(%run_scoped3A_212 : memref<!tpu.dma_semaphore, #tpu.memory_space<semaphore_mem>>) src(%dma_wait3A_228 : memref<250x80xi32, #tpu.memory_space<hbm>>) dst(%arg10 : memref<250x80xi32, #tpu.memory_space<vmem>>)
      tpu.yield
    }) : () -> ()
    %broadcast_in_dim3A = arith.constant 1.000000e+00 : f32
    %broadcast_in_dim3A_1 = vector.broadcast %broadcast_in_dim3A : f32 to vector<16xf32>
    %swap3A = arith.constant 0 : index
    %swap3A_2 = tpu.vector_load %arg13[%swap3A] {strides = array<i32>} : memref<80xf32, #tpu.memory_space<vmem>>, vector<16xf32>,
    %swap3A_3 = vector.shape_cast %swap3A_2 : vector<16xf32> to vector<16xf32>
    %swap3A_4 = vector.shape_cast %broadcast_in_dim3A_1 : vector<16xf32> to vector<16xf32>
    tpu.vector_store %arg13[%swap3A], %swap3A_4 {strides = array<i32>} : memref<80xf32, #tpu.memory_space<vmem>>, vector<16xf32>,
    %broadcast_in_dim3A_5 = arith.constant 1.000000e+00 : f32
    %broadcast_in_dim3A_6 = vector.broadcast %broadcast_in_dim3A_5 : f32 to vector<16xf32>
    %swap3A_7 = arith.constant 16 : index
    %swap3A_8 = tpu.vector_load %arg13[%swap3A_7] {strides = array<i32>} : memref<80xf32, #tpu.memory_space<vmem>>, vector<16xf32>,
    %swap3A_9 = vector.shape_cast %swap3A_8 : vector<16xf32> to vector<16xf32>
    %swap3A_10 = vector.shape_cast %broadcast_in_dim3A_6 : vector<16xf32> to vector<16xf32>
    tpu.vector_store %arg13[%swap3A_7], %swap3A_10 {strides = array<i32>} : memref<80xf32, #tpu.memory_space<vmem>>, vector<16xf32>,
    %broadcast_in_dim3A_11 = arith.constant 1.000000e+00 : f32
    %broadcast_in_dim3A_12 = vector.broadcast %broadcast_in_dim3A_11 : f32 to vector<16xf32>
    %swap3A_13 = arith.constant 32 : index
    %swap3A_14 = tpu.vector_load %arg13[%swap3A_13] {strides = array<i32>} : memref<80xf32, #tpu.memory_space<vmem>>, vector<16xf32>,
    %swap3A_15 = vector.shape_cast %swap3A_14 : vector<16xf32> to vector<16xf32>
    %swap3A_16 = vector.shape_cast %broadcast_in_dim3A_12 : vector<16xf32> to vector<16xf32>
    tpu.vector_store %arg13[%swap3A_13], %swap3A_16 {strides = array<i32>} : memref<80xf32, #tpu.memory_space<vmem>>, vector<16xf32>,
    %broadcast_in_dim3A_17 = arith.constant 1.000000e+00 : f32
    %broadcast_in_dim3A_18 = vector.broadcast %broadcast_in_dim3A_17 : f32 to vector<16xf32>
    %swap3A_19 = arith.constant 48 : index
    %swap3A_20 = tpu.vector_load %arg13[%swap3A_19] {strides = array<i32>} : memref<80xf32, #tpu.memory_space<vmem>>, vector<16xf32>,
    %swap3A_21 = vector.shape_cast %swap3A_20 : vector<16xf32> to vector<16xf32>
    %swap3A_22 = vector.shape_cast %broadcast_in_dim3A_18 : vector<16xf32> to vector<16xf32>
    tpu.vector_store %arg13[%swap3A_19], %swap3A_22 {strides = array<i32>} : memref<80xf32, #tpu.memory_space<vmem>>, vector<16xf32>,
    %broadcast_in_dim3A_23 = arith.constant 1.000000e+00 : f32
    %broadcast_in_dim3A_24 = vector.broadcast %broadcast_in_dim3A_23 : f32 to vector<16xf32>
    %swap3A_25 = arith.constant 64 : index
    %swap3A_26 = tpu.vector_load %arg13[%swap3A_25] {strides = array<i32>} : memref<80xf32, #tpu.memory_space<vmem>>, vector<16xf32>,
    %swap3A_27 = vector.shape_cast %swap3A_26 : vector<16xf32> to vector<16xf32>
    %swap3A_28 = vector.shape_cast %broadcast_in_dim3A_24 : vector<16xf32> to vector<16xf32>
    tpu.vector_store %arg13[%swap3A_25], %swap3A_28 {strides = array<i32>} : memref<80xf32, #tpu.memory_space<vmem>>, vector<16xf32>,
    %mul3A = arith.constant 624 : i32
    %mul3A_29 = arith.muli %arg1, %mul3A : i32
    "tpu.region"() ({
      %run_scoped3A_212 = tpu.sem_alloc : memref<!tpu.dma_semaphore, #tpu.memory_space<semaphore_mem>>
      %dma_start3A_213 = arith.constant 0 : i32
      %dma_start3A_214 = tpu.memref_slice %arg14[%mul3A_29, %dma_start3A_213] : memref<10000x64xf32, #tpu.memory_space<vmem_shared>> -> memref<624x64xf32, #tpu.memory_space<vmem_shared>>
      %dma_start3A_215 = arith.constant 0 : i32
      %dma_start3A_216 = tpu.memref_slice %arg5[%mul3A_29, %dma_start3A_215] : memref<10000x64xf32, #tpu.memory_space<hbm>> -> memref<624x64xf32, #tpu.memory_space<hbm>>
      tpu.enqueue_dma source(%dma_start3A_216 : memref<624x64xf32, #tpu.memory_space<hbm>>) target(%dma_start3A_214 : memref<624x64xf32, #tpu.memory_space<vmem_shared>>) target_semaphore(%run_scoped3A_212 : memref<!tpu.dma_semaphore, #tpu.memory_space<semaphore_mem>>)
      %dma_wait3A_217 = arith.constant 0 : i32
      %dma_wait3A_218 = tpu.memref_slice %arg14[%mul3A_29, %dma_wait3A_217] : memref<10000x64xf32, #tpu.memory_space<vmem_shared>> -> memref<624x64xf32, #tpu.memory_space<vmem_shared>>
      %dma_wait3A_219 = arith.constant 0 : i32
      %dma_wait3A_220 = tpu.memref_slice %arg5[%mul3A_29, %dma_wait3A_219] : memref<10000x64xf32, #tpu.memory_space<hbm>> -> memref<624x64xf32, #tpu.memory_space<hbm>>
      tpu.wait_dma2 semaphore(%run_scoped3A_212 : memref<!tpu.dma_semaphore, #tpu.memory_space<semaphore_mem>>) src(%dma_wait3A_220 : memref<624x64xf32, #tpu.memory_space<hbm>>) dst(%dma_wait3A_218 : memref<624x64xf32, #tpu.memory_space<vmem_shared>>)
      tpu.yield
    }) : () -> ()
    %eq3A = arith.constant 0 : i32
    %eq3A_30 = arith.cmpi eq, %arg1, %eq3A : i32
    %convert_element_type3A = arith.extui %eq3A_30 : i1 to i32
    %cond3A = arith.constant 0 : i32
    %cond3A_31 = arith.cmpi ne, %convert_element_type3A, %cond3A : i32
    scf.if %cond3A_31 {
      "tpu.region"() ({
        %run_scoped3A_212 = tpu.sem_alloc : memref<!tpu.dma_semaphore, #tpu.memory_space<semaphore_mem>>
        %dma_start3A_213 = arith.constant 9984 : i32
        %dma_start3A_214 = arith.constant 0 : i32
        %dma_start3A_215 = tpu.memref_slice %arg14[%dma_start3A_213, %dma_start3A_214] : memref<10000x64xf32, #tpu.memory_space<vmem_shared>> -> memref<16x64xf32, #tpu.memory_space<vmem_shared>>
        %dma_start3A_216 = arith.constant 9984 : i32
        %dma_start3A_217 = arith.constant 0 : i32
        %dma_start3A_218 = tpu.memref_slice %arg5[%dma_start3A_216, %dma_start3A_217] : memref<10000x64xf32, #tpu.memory_space<hbm>> -> memref<16x64xf32, #tpu.memory_space<hbm>>
        tpu.enqueue_dma source(%dma_start3A_218 : memref<16x64xf32, #tpu.memory_space<hbm>>) target(%dma_start3A_215 : memref<16x64xf32, #tpu.memory_space<vmem_shared>>) target_semaphore(%run_scoped3A_212 : memref<!tpu.dma_semaphore, #tpu.memory_space<semaphore_mem>>)
        %dma_wait3A_219 = arith.constant 9984 : i32
        %dma_wait3A_220 = arith.constant 0 : i32
        %dma_wait3A_221 = tpu.memref_slice %arg14[%dma_wait3A_219, %dma_wait3A_220] : memref<10000x64xf32, #tpu.memory_space<vmem_shared>> -> memref<16x64xf32, #tpu.memory_space<vmem_shared>>
        %dma_wait3A_222 = arith.constant 9984 : i32
        %dma_wait3A_223 = arith.constant 0 : i32
        %dma_wait3A_224 = tpu.memref_slice %arg5[%dma_wait3A_222, %dma_wait3A_223] : memref<10000x64xf32, #tpu.memory_space<hbm>> -> memref<16x64xf32, #tpu.memory_space<hbm>>
        tpu.wait_dma2 semaphore(%run_scoped3A_212 : memref<!tpu.dma_semaphore, #tpu.memory_space<semaphore_mem>>) src(%dma_wait3A_224 : memref<16x64xf32, #tpu.memory_space<hbm>>) dst(%dma_wait3A_221 : memref<16x64xf32, #tpu.memory_space<vmem_shared>>)
        tpu.yield
      }) : () -> ()
      "tpu.region"() ({
        %run_scoped3A_212 = tpu.sem_alloc : memref<!tpu.dma_semaphore, #tpu.memory_space<semaphore_mem>>
        tpu.enqueue_dma source(%arg6 : memref<10000xf32, #tpu.memory_space<hbm>>) target(%arg15 : memref<10000xf32, #tpu.memory_space<vmem_shared>>) target_semaphore(%run_scoped3A_212 : memref<!tpu.dma_semaphore, #tpu.memory_space<semaphore_mem>>)
        tpu.wait_dma2 semaphore(%run_scoped3A_212 : memref<!tpu.dma_semaphore, #tpu.memory_space<semaphore_mem>>) src(%arg6 : memref<10000xf32, #tpu.memory_space<hbm>>) dst(%arg15 : memref<10000xf32, #tpu.memory_space<vmem_shared>>)
        tpu.yield
      }) : () -> ()
    } else {
    }
    %barrier3A = arith.constant 0 : index
    tpu.barrier barrier_id(%barrier3A)
    %dma_start3A = arith.constant 0 : i32
    %dma_start3A_32 = arith.constant 0 : i32
    %dma_start3A_33 = tpu.memref_slice %arg9[%dma_start3A, %dma_start3A_32] : memref<250x80xi32, #tpu.memory_space<vmem>> -> memref<1x80xi32, #tpu.memory_space<vmem>>
    %dma_start3A_34 = tpu.memref_squeeze %dma_start3A_33 : memref<1x80xi32, #tpu.memory_space<vmem>> -> memref<80xi32, #tpu.memory_space<vmem>>
    %dma_start3A_35 = arith.constant 0 : i32
    %dma_start3A_36 = arith.constant 0 : i32
    %dma_start3A_37 = tpu.memref_slice %arg2[%dma_start3A_35, %dma_start3A_36] : memref<10000x64xf32, #tpu.memory_space<hbm>> -> memref<10000x64xf32, #tpu.memory_space<hbm>>
    tpu.enqueue_indirect_dma source(%dma_start3A_37 : memref<10000x64xf32, #tpu.memory_space<hbm>>) target(%arg11 : memref<80x64xf32, #tpu.memory_space<vmem>>) offsets(%dma_start3A_34 : memref<80xi32, #tpu.memory_space<vmem>>) semaphore(%arg16 : memref<!tpu.dma_semaphore, #tpu.memory_space<semaphore_mem>>)
    %dma_start3A_38 = arith.constant 1 : i32
    %dma_start3A_39 = arith.constant 0 : i32
    %dma_start3A_40 = tpu.memref_slice %arg9[%dma_start3A_38, %dma_start3A_39] : memref<250x80xi32, #tpu.memory_space<vmem>> -> memref<1x80xi32, #tpu.memory_space<vmem>>
    %dma_start3A_41 = tpu.memref_squeeze %dma_start3A_40 : memref<1x80xi32, #tpu.memory_space<vmem>> -> memref<80xi32, #tpu.memory_space<vmem>>
    %dma_start3A_42 = arith.constant 0 : i32
    %dma_start3A_43 = arith.constant 0 : i32
    %dma_start3A_44 = tpu.memref_slice %arg2[%dma_start3A_42, %dma_start3A_43] : memref<10000x64xf32, #tpu.memory_space<hbm>> -> memref<10000x64xf32, #tpu.memory_space<hbm>>
    tpu.enqueue_indirect_dma source(%dma_start3A_44 : memref<10000x64xf32, #tpu.memory_space<hbm>>) target(%arg12 : memref<80x64xf32, #tpu.memory_space<vmem>>) offsets(%dma_start3A_41 : memref<80xi32, #tpu.memory_space<vmem>>) semaphore(%arg17 : memref<!tpu.dma_semaphore, #tpu.memory_space<semaphore_mem>>)
    %scan3A = arith.constant 0 : i32
    %scan3A_45 = arith.constant 0 : i32
    %scan3A_46 = arith.constant 124 : i32
    %scan3A_47 = arith.addi %scan3A_45, %scan3A_46 : i32
    %scan3A_48 = arith.constant 1 : i32
    %scan3A_49 = scf.for %scan3A_212 = %scan3A_45 to %scan3A_47 step %scan3A_48 iter_args(%scan3A_213 = %scan3A) -> (i32)  : i32 {
      %mul3A_214 = arith.constant 2 : i32
      %mul3A_215 = arith.muli %mul3A_214, %scan3A_212 : i32
      %add3A = arith.constant 1 : i32
      %add3A_216 = arith.addi %mul3A_215, %add3A : i32
      %dma_wait3A_217 = arith.constant 0 : i32
      %dma_wait3A_218 = tpu.memref_slice %arg9[%mul3A_215, %dma_wait3A_217] : memref<250x80xi32, #tpu.memory_space<vmem>> -> memref<1x80xi32, #tpu.memory_space<vmem>>
      %dma_wait3A_219 = tpu.memref_squeeze %dma_wait3A_218 : memref<1x80xi32, #tpu.memory_space<vmem>> -> memref<80xi32, #tpu.memory_space<vmem>>
      %dma_wait3A_220 = arith.constant 0 : i32
      %dma_wait3A_221 = arith.constant 0 : i32
      %dma_wait3A_222 = tpu.memref_slice %arg2[%dma_wait3A_220, %dma_wait3A_221] : memref<10000x64xf32, #tpu.memory_space<hbm>> -> memref<10000x64xf32, #tpu.memory_space<hbm>>
      tpu.wait_indirect_dma semaphore(%arg16 : memref<!tpu.dma_semaphore, #tpu.memory_space<semaphore_mem>>) src(%dma_wait3A_222 : memref<10000x64xf32, #tpu.memory_space<hbm>>) dst(%arg11 : memref<80x64xf32, #tpu.memory_space<vmem>>)
      %dma_start3A_223 = arith.constant 0 : i32
      %dma_start3A_224 = tpu.memref_slice %arg10[%mul3A_215, %dma_start3A_223] : memref<250x80xi32, #tpu.memory_space<vmem>> -> memref<1x80xi32, #tpu.memory_space<vmem>>
      %dma_start3A_225 = tpu.memref_squeeze %dma_start3A_224 : memref<1x80xi32, #tpu.memory_space<vmem>> -> memref<80xi32, #tpu.memory_space<vmem>>
      %dma_start3A_226 = arith.constant 0 : i32
      %dma_start3A_227 = arith.constant 0 : i32
      %dma_start3A_228 = tpu.memref_slice %arg14[%dma_start3A_226, %dma_start3A_227] : memref<10000x64xf32, #tpu.memory_space<vmem_shared>> -> memref<10000x64xf32, #tpu.memory_space<vmem_shared>>
      tpu.enqueue_indirect_dma source(%arg11 : memref<80x64xf32, #tpu.memory_space<vmem>>) target(%dma_start3A_228 : memref<10000x64xf32, #tpu.memory_space<vmem_shared>>) offsets(%dma_start3A_225 : memref<80xi32, #tpu.memory_space<vmem>>) semaphore(%arg18 : memref<!tpu.dma_semaphore, #tpu.memory_space<semaphore_mem>>) {add = true}
      %dma_wait3A_229 = arith.constant 0 : i32
      %dma_wait3A_230 = tpu.memref_slice %arg9[%add3A_216, %dma_wait3A_229] : memref<250x80xi32, #tpu.memory_space<vmem>> -> memref<1x80xi32, #tpu.memory_space<vmem>>
      %dma_wait3A_231 = tpu.memref_squeeze %dma_wait3A_230 : memref<1x80xi32, #tpu.memory_space<vmem>> -> memref<80xi32, #tpu.memory_space<vmem>>
      %dma_wait3A_232 = arith.constant 0 : i32
      %dma_wait3A_233 = arith.constant 0 : i32
      %dma_wait3A_234 = tpu.memref_slice %arg2[%dma_wait3A_232, %dma_wait3A_233] : memref<10000x64xf32, #tpu.memory_space<hbm>> -> memref<10000x64xf32, #tpu.memory_space<hbm>>
      tpu.wait_indirect_dma semaphore(%arg17 : memref<!tpu.dma_semaphore, #tpu.memory_space<semaphore_mem>>) src(%dma_wait3A_234 : memref<10000x64xf32, #tpu.memory_space<hbm>>) dst(%arg12 : memref<80x64xf32, #tpu.memory_space<vmem>>)
      %dma_start3A_235 = arith.constant 0 : i32
      %dma_start3A_236 = tpu.memref_slice %arg10[%add3A_216, %dma_start3A_235] : memref<250x80xi32, #tpu.memory_space<vmem>> -> memref<1x80xi32, #tpu.memory_space<vmem>>
      %dma_start3A_237 = tpu.memref_squeeze %dma_start3A_236 : memref<1x80xi32, #tpu.memory_space<vmem>> -> memref<80xi32, #tpu.memory_space<vmem>>
      %dma_start3A_238 = arith.constant 0 : i32
      %dma_start3A_239 = arith.constant 0 : i32
      %dma_start3A_240 = tpu.memref_slice %arg14[%dma_start3A_238, %dma_start3A_239] : memref<10000x64xf32, #tpu.memory_space<vmem_shared>> -> memref<10000x64xf32, #tpu.memory_space<vmem_shared>>
      tpu.enqueue_indirect_dma source(%arg12 : memref<80x64xf32, #tpu.memory_space<vmem>>) target(%dma_start3A_240 : memref<10000x64xf32, #tpu.memory_space<vmem_shared>>) offsets(%dma_start3A_237 : memref<80xi32, #tpu.memory_space<vmem>>) semaphore(%arg19 : memref<!tpu.dma_semaphore, #tpu.memory_space<semaphore_mem>>) {add = true}
      %gt3A = arith.constant 0 : i32
      %gt3A_241 = arith.cmpi sgt, %scan3A_212, %gt3A : i32
      %convert_element_type3A_242 = arith.extui %gt3A_241 : i1 to i32
      %cond3A_243 = arith.constant 0 : i32
      %cond3A_244 = arith.cmpi ne, %convert_element_type3A_242, %cond3A_243 : i32
      scf.if %cond3A_244 {
        %dma_wait3A_284 = arith.constant 0 : i32
        %dma_wait3A_285 = tpu.memref_slice %arg10[%mul3A_215, %dma_wait3A_284] : memref<250x80xi32, #tpu.memory_space<vmem>> -> memref<1x80xi32, #tpu.memory_space<vmem>>
        %dma_wait3A_286 = tpu.memref_squeeze %dma_wait3A_285 : memref<1x80xi32, #tpu.memory_space<vmem>> -> memref<80xi32, #tpu.memory_space<vmem>>
        %dma_wait3A_287 = arith.constant 0 : i32
        %dma_wait3A_288 = tpu.memref_slice %arg15[%dma_wait3A_287] : memref<10000xf32, #tpu.memory_space<vmem_shared>> -> memref<10000xf32, #tpu.memory_space<vmem_shared>>
        tpu.wait_indirect_dma semaphore(%arg20 : memref<!tpu.dma_semaphore, #tpu.memory_space<semaphore_mem>>) src(%arg13 : memref<80xf32, #tpu.memory_space<vmem>>) dst(%dma_wait3A_288 : memref<10000xf32, #tpu.memory_space<vmem_shared>>)
        %dma_wait3A_289 = arith.constant 0 : i32
        %dma_wait3A_290 = tpu.memref_slice %arg10[%add3A_216, %dma_wait3A_289] : memref<250x80xi32, #tpu.memory_space<vmem>> -> memref<1x80xi32, #tpu.memory_space<vmem>>
        %dma_wait3A_291 = tpu.memref_squeeze %dma_wait3A_290 : memref<1x80xi32, #tpu.memory_space<vmem>> -> memref<80xi32, #tpu.memory_space<vmem>>
        %dma_wait3A_292 = arith.constant 0 : i32
        %dma_wait3A_293 = tpu.memref_slice %arg15[%dma_wait3A_292] : memref<10000xf32, #tpu.memory_space<vmem_shared>> -> memref<10000xf32, #tpu.memory_space<vmem_shared>>
        tpu.wait_indirect_dma semaphore(%arg20 : memref<!tpu.dma_semaphore, #tpu.memory_space<semaphore_mem>>) src(%arg13 : memref<80xf32, #tpu.memory_space<vmem>>) dst(%dma_wait3A_293 : memref<10000xf32, #tpu.memory_space<vmem_shared>>)
      } else {
      }
      %dma_start3A_245 = arith.constant 0 : i32
      %dma_start3A_246 = tpu.memref_slice %arg10[%mul3A_215, %dma_start3A_245] : memref<250x80xi32, #tpu.memory_space<vmem>> -> memref<1x80xi32, #tpu.memory_space<vmem>>
      %dma_start3A_247 = tpu.memref_squeeze %dma_start3A_246 : memref<1x80xi32, #tpu.memory_space<vmem>> -> memref<80xi32, #tpu.memory_space<vmem>>
      %dma_start3A_248 = arith.constant 0 : i32
      %dma_start3A_249 = tpu.memref_slice %arg15[%dma_start3A_248] : memref<10000xf32, #tpu.memory_space<vmem_shared>> -> memref<10000xf32, #tpu.memory_space<vmem_shared>>
      tpu.enqueue_indirect_dma source(%arg13 : memref<80xf32, #tpu.memory_space<vmem>>) target(%dma_start3A_249 : memref<10000xf32, #tpu.memory_space<vmem_shared>>) offsets(%dma_start3A_247 : memref<80xi32, #tpu.memory_space<vmem>>) semaphore(%arg20 : memref<!tpu.dma_semaphore, #tpu.memory_space<semaphore_mem>>) {add = true}
      %dma_start3A_250 = arith.constant 0 : i32
      %dma_start3A_251 = tpu.memref_slice %arg10[%add3A_216, %dma_start3A_250] : memref<250x80xi32, #tpu.memory_space<vmem>> -> memref<1x80xi32, #tpu.memory_space<vmem>>
      %dma_start3A_252 = tpu.memref_squeeze %dma_start3A_251 : memref<1x80xi32, #tpu.memory_space<vmem>> -> memref<80xi32, #tpu.memory_space<vmem>>
      %dma_start3A_253 = arith.constant 0 : i32
      %dma_start3A_254 = tpu.memref_slice %arg15[%dma_start3A_253] : memref<10000xf32, #tpu.memory_space<vmem_shared>> -> memref<10000xf32, #tpu.memory_space<vmem_shared>>
      tpu.enqueue_indirect_dma source(%arg13 : memref<80xf32, #tpu.memory_space<vmem>>) target(%dma_start3A_254 : memref<10000xf32, #tpu.memory_space<vmem_shared>>) offsets(%dma_start3A_252 : memref<80xi32, #tpu.memory_space<vmem>>) semaphore(%arg20 : memref<!tpu.dma_semaphore, #tpu.memory_space<semaphore_mem>>) {add = true}
      %dma_wait3A_255 = arith.constant 0 : i32
      %dma_wait3A_256 = tpu.memref_slice %arg10[%mul3A_215, %dma_wait3A_255] : memref<250x80xi32, #tpu.memory_space<vmem>> -> memref<1x80xi32, #tpu.memory_space<vmem>>
      %dma_wait3A_257 = tpu.memref_squeeze %dma_wait3A_256 : memref<1x80xi32, #tpu.memory_space<vmem>> -> memref<80xi32, #tpu.memory_space<vmem>>
      %dma_wait3A_258 = arith.constant 0 : i32
      %dma_wait3A_259 = arith.constant 0 : i32
      %dma_wait3A_260 = tpu.memref_slice %arg14[%dma_wait3A_258, %dma_wait3A_259] : memref<10000x64xf32, #tpu.memory_space<vmem_shared>> -> memref<10000x64xf32, #tpu.memory_space<vmem_shared>>
      tpu.wait_indirect_dma semaphore(%arg18 : memref<!tpu.dma_semaphore, #tpu.memory_space<semaphore_mem>>) src(%arg11 : memref<80x64xf32, #tpu.memory_space<vmem>>) dst(%dma_wait3A_260 : memref<10000x64xf32, #tpu.memory_space<vmem_shared>>)
      %add3A_261 = arith.constant 2 : i32
      %add3A_262 = arith.addi %mul3A_215, %add3A_261 : i32
      %dma_start3A_263 = arith.constant 0 : i32
      %dma_start3A_264 = tpu.memref_slice %arg9[%add3A_262, %dma_start3A_263] : memref<250x80xi32, #tpu.memory_space<vmem>> -> memref<1x80xi32, #tpu.memory_space<vmem>>
      %dma_start3A_265 = tpu.memref_squeeze %dma_start3A_264 : memref<1x80xi32, #tpu.memory_space<vmem>> -> memref<80xi32, #tpu.memory_space<vmem>>
      %dma_start3A_266 = arith.constant 0 : i32
      %dma_start3A_267 = arith.constant 0 : i32
      %dma_start3A_268 = tpu.memref_slice %arg2[%dma_start3A_266, %dma_start3A_267] : memref<10000x64xf32, #tpu.memory_space<hbm>> -> memref<10000x64xf32, #tpu.memory_space<hbm>>
      tpu.enqueue_indirect_dma source(%dma_start3A_268 : memref<10000x64xf32, #tpu.memory_space<hbm>>) target(%arg11 : memref<80x64xf32, #tpu.memory_space<vmem>>) offsets(%dma_start3A_265 : memref<80xi32, #tpu.memory_space<vmem>>) semaphore(%arg16 : memref<!tpu.dma_semaphore, #tpu.memory_space<semaphore_mem>>)
      %dma_wait3A_269 = arith.constant 0 : i32
      %dma_wait3A_270 = tpu.memref_slice %arg10[%add3A_216, %dma_wait3A_269] : memref<250x80xi32, #tpu.memory_space<vmem>> -> memref<1x80xi32, #tpu.memory_space<vmem>>
      %dma_wait3A_271 = tpu.memref_squeeze %dma_wait3A_270 : memref<1x80xi32, #tpu.memory_space<vmem>> -> memref<80xi32, #tpu.memory_space<vmem>>
      %dma_wait3A_272 = arith.constant 0 : i32
      %dma_wait3A_273 = arith.constant 0 : i32
      %dma_wait3A_274 = tpu.memref_slice %arg14[%dma_wait3A_272, %dma_wait3A_273] : memref<10000x64xf32, #tpu.memory_space<vmem_shared>> -> memref<10000x64xf32, #tpu.memory_space<vmem_shared>>
      tpu.wait_indirect_dma semaphore(%arg19 : memref<!tpu.dma_semaphore, #tpu.memory_space<semaphore_mem>>) src(%arg12 : memref<80x64xf32, #tpu.memory_space<vmem>>) dst(%dma_wait3A_274 : memref<10000x64xf32, #tpu.memory_space<vmem_shared>>)
      %add3A_275 = arith.constant 2 : i32
      %add3A_276 = arith.addi %add3A_216, %add3A_275 : i32
      %dma_start3A_277 = arith.constant 0 : i32
      %dma_start3A_278 = tpu.memref_slice %arg9[%add3A_276, %dma_start3A_277] : memref<250x80xi32, #tpu.memory_space<vmem>> -> memref<1x80xi32, #tpu.memory_space<vmem>>
      %dma_start3A_279 = tpu.memref_squeeze %dma_start3A_278 : memref<1x80xi32, #tpu.memory_space<vmem>> -> memref<80xi32, #tpu.memory_space<vmem>>
      %dma_start3A_280 = arith.constant 0 : i32
      %dma_start3A_281 = arith.constant 0 : i32
      %dma_start3A_282 = tpu.memref_slice %arg2[%dma_start3A_280, %dma_start3A_281] : memref<10000x64xf32, #tpu.memory_space<hbm>> -> memref<10000x64xf32, #tpu.memory_space<hbm>>
      tpu.enqueue_indirect_dma source(%dma_start3A_282 : memref<10000x64xf32, #tpu.memory_space<hbm>>) target(%arg12 : memref<80x64xf32, #tpu.memory_space<vmem>>) offsets(%dma_start3A_279 : memref<80xi32, #tpu.memory_space<vmem>>) semaphore(%arg17 : memref<!tpu.dma_semaphore, #tpu.memory_space<semaphore_mem>>)
      %scan3A_283 = arith.constant 0 : i32
      scf.yield %scan3A_283 : i32
    }
    %scan3A_50 = arith.constant 124 : i32
    %dma_wait3A = arith.constant 248 : i32
    %dma_wait3A_51 = arith.constant 0 : i32
    %dma_wait3A_52 = tpu.memref_slice %arg9[%dma_wait3A, %dma_wait3A_51] : memref<250x80xi32, #tpu.memory_space<vmem>> -> memref<1x80xi32, #tpu.memory_space<vmem>>
    %dma_wait3A_53 = tpu.memref_squeeze %dma_wait3A_52 : memref<1x80xi32, #tpu.memory_space<vmem>> -> memref<80xi32, #tpu.memory_space<vmem>>
    %dma_wait3A_54 = arith.constant 0 : i32
    %dma_wait3A_55 = arith.constant 0 : i32
    %dma_wait3A_56 = tpu.memref_slice %arg2[%dma_wait3A_54, %dma_wait3A_55] : memref<10000x64xf32, #tpu.memory_space<hbm>> -> memref<10000x64xf32, #tpu.memory_space<hbm>>
    tpu.wait_indirect_dma semaphore(%arg16 : memref<!tpu.dma_semaphore, #tpu.memory_space<semaphore_mem>>) src(%dma_wait3A_56 : memref<10000x64xf32, #tpu.memory_space<hbm>>) dst(%arg11 : memref<80x64xf32, #tpu.memory_space<vmem>>)
    %dma_start3A_57 = arith.constant 248 : i32
    %dma_start3A_58 = arith.constant 0 : i32
    %dma_start3A_59 = tpu.memref_slice %arg10[%dma_start3A_57, %dma_start3A_58] : memref<250x80xi32, #tpu.memory_space<vmem>> -> memref<1x80xi32, #tpu.memory_space<vmem>>
    %dma_start3A_60 = tpu.memref_squeeze %dma_start3A_59 : memref<1x80xi32, #tpu.memory_space<vmem>> -> memref<80xi32, #tpu.memory_space<vmem>>
    %dma_start3A_61 = arith.constant 0 : i32
    %dma_start3A_62 = arith.constant 0 : i32
    %dma_start3A_63 = tpu.memref_slice %arg14[%dma_start3A_61, %dma_start3A_62] : memref<10000x64xf32, #tpu.memory_space<vmem_shared>> -> memref<10000x64xf32, #tpu.memory_space<vmem_shared>>
    tpu.enqueue_indirect_dma source(%arg11 : memref<80x64xf32, #tpu.memory_space<vmem>>) target(%dma_start3A_63 : memref<10000x64xf32, #tpu.memory_space<vmem_shared>>) offsets(%dma_start3A_60 : memref<80xi32, #tpu.memory_space<vmem>>) semaphore(%arg18 : memref<!tpu.dma_semaphore, #tpu.memory_space<semaphore_mem>>) {add = true}
    %dma_wait3A_64 = arith.constant 249 : i32
    %dma_wait3A_65 = arith.constant 0 : i32
    %dma_wait3A_66 = tpu.memref_slice %arg9[%dma_wait3A_64, %dma_wait3A_65] : memref<250x80xi32, #tpu.memory_space<vmem>> -> memref<1x80xi32, #tpu.memory_space<vmem>>
    %dma_wait3A_67 = tpu.memref_squeeze %dma_wait3A_66 : memref<1x80xi32, #tpu.memory_space<vmem>> -> memref<80xi32, #tpu.memory_space<vmem>>
    %dma_wait3A_68 = arith.constant 0 : i32
    %dma_wait3A_69 = arith.constant 0 : i32
    %dma_wait3A_70 = tpu.memref_slice %arg2[%dma_wait3A_68, %dma_wait3A_69] : memref<10000x64xf32, #tpu.memory_space<hbm>> -> memref<10000x64xf32, #tpu.memory_space<hbm>>
    tpu.wait_indirect_dma semaphore(%arg17 : memref<!tpu.dma_semaphore, #tpu.memory_space<semaphore_mem>>) src(%dma_wait3A_70 : memref<10000x64xf32, #tpu.memory_space<hbm>>) dst(%arg12 : memref<80x64xf32, #tpu.memory_space<vmem>>)
    %dma_start3A_71 = arith.constant 249 : i32
    %dma_start3A_72 = arith.constant 0 : i32
    %dma_start3A_73 = tpu.memref_slice %arg10[%dma_start3A_71, %dma_start3A_72] : memref<250x80xi32, #tpu.memory_space<vmem>> -> memref<1x80xi32, #tpu.memory_space<vmem>>
    %dma_start3A_74 = tpu.memref_squeeze %dma_start3A_73 : memref<1x80xi32, #tpu.memory_space<vmem>> -> memref<80xi32, #tpu.memory_space<vmem>>
    %dma_start3A_75 = arith.constant 0 : i32
    %dma_start3A_76 = arith.constant 0 : i32
    %dma_start3A_77 = tpu.memref_slice %arg14[%dma_start3A_75, %dma_start3A_76] : memref<10000x64xf32, #tpu.memory_space<vmem_shared>> -> memref<10000x64xf32, #tpu.memory_space<vmem_shared>>
    tpu.enqueue_indirect_dma source(%arg12 : memref<80x64xf32, #tpu.memory_space<vmem>>) target(%dma_start3A_77 : memref<10000x64xf32, #tpu.memory_space<vmem_shared>>) offsets(%dma_start3A_74 : memref<80xi32, #tpu.memory_space<vmem>>) semaphore(%arg19 : memref<!tpu.dma_semaphore, #tpu.memory_space<semaphore_mem>>) {add = true}
    %dma_start3A_78 = arith.constant 248 : i32
    %dma_start3A_79 = arith.constant 0 : i32
    %dma_start3A_80 = tpu.memref_slice %arg10[%dma_start3A_78, %dma_start3A_79] : memref<250x80xi32, #tpu.memory_space<vmem>> -> memref<1x80xi32, #tpu.memory_space<vmem>>
    %dma_start3A_81 = tpu.memref_squeeze %dma_start3A_80 : memref<1x80xi32, #tpu.memory_space<vmem>> -> memref<80xi32, #tpu.memory_space<vmem>>
    %dma_start3A_82 = arith.constant 0 : i32
    %dma_start3A_83 = tpu.memref_slice %arg15[%dma_start3A_82] : memref<10000xf32, #tpu.memory_space<vmem_shared>> -> memref<10000xf32, #tpu.memory_space<vmem_shared>>
    tpu.enqueue_indirect_dma source(%arg13 : memref<80xf32, #tpu.memory_space<vmem>>) target(%dma_start3A_83 : memref<10000xf32, #tpu.memory_space<vmem_shared>>) offsets(%dma_start3A_81 : memref<80xi32, #tpu.memory_space<vmem>>) semaphore(%arg20 : memref<!tpu.dma_semaphore, #tpu.memory_space<semaphore_mem>>) {add = true}
    %dma_start3A_84 = arith.constant 249 : i32
    %dma_start3A_85 = arith.constant 0 : i32
    %dma_start3A_86 = tpu.memref_slice %arg10[%dma_start3A_84, %dma_start3A_85] : memref<250x80xi32, #tpu.memory_space<vmem>> -> memref<1x80xi32, #tpu.memory_space<vmem>>
    %dma_start3A_87 = tpu.memref_squeeze %dma_start3A_86 : memref<1x80xi32, #tpu.memory_space<vmem>> -> memref<80xi32, #tpu.memory_space<vmem>>
    %dma_start3A_88 = arith.constant 0 : i32
    %dma_start3A_89 = tpu.memref_slice %arg15[%dma_start3A_88] : memref<10000xf32, #tpu.memory_space<vmem_shared>> -> memref<10000xf32, #tpu.memory_space<vmem_shared>>
    tpu.enqueue_indirect_dma source(%arg13 : memref<80xf32, #tpu.memory_space<vmem>>) target(%dma_start3A_89 : memref<10000xf32, #tpu.memory_space<vmem_shared>>) offsets(%dma_start3A_87 : memref<80xi32, #tpu.memory_space<vmem>>) semaphore(%arg20 : memref<!tpu.dma_semaphore, #tpu.memory_space<semaphore_mem>>) {add = true}
    %dma_wait3A_90 = arith.constant 248 : i32
    %dma_wait3A_91 = arith.constant 0 : i32
    %dma_wait3A_92 = tpu.memref_slice %arg10[%dma_wait3A_90, %dma_wait3A_91] : memref<250x80xi32, #tpu.memory_space<vmem>> -> memref<1x80xi32, #tpu.memory_space<vmem>>
    %dma_wait3A_93 = tpu.memref_squeeze %dma_wait3A_92 : memref<1x80xi32, #tpu.memory_space<vmem>> -> memref<80xi32, #tpu.memory_space<vmem>>
    %dma_wait3A_94 = arith.constant 0 : i32
    %dma_wait3A_95 = tpu.memref_slice %arg15[%dma_wait3A_94] : memref<10000xf32, #tpu.memory_space<vmem_shared>> -> memref<10000xf32, #tpu.memory_space<vmem_shared>>
    tpu.wait_indirect_dma semaphore(%arg20 : memref<!tpu.dma_semaphore, #tpu.memory_space<semaphore_mem>>) src(%arg13 : memref<80xf32, #tpu.memory_space<vmem>>) dst(%dma_wait3A_95 : memref<10000xf32, #tpu.memory_space<vmem_shared>>)
    %dma_wait3A_96 = arith.constant 248 : i32
    %dma_wait3A_97 = arith.constant 0 : i32
    %dma_wait3A_98 = tpu.memref_slice %arg10[%dma_wait3A_96, %dma_wait3A_97] : memref<250x80xi32, #tpu.memory_space<vmem>> -> memref<1x80xi32, #tpu.memory_space<vmem>>
    %dma_wait3A_99 = tpu.memref_squeeze %dma_wait3A_98 : memref<1x80xi32, #tpu.memory_space<vmem>> -> memref<80xi32, #tpu.memory_space<vmem>>
    %dma_wait3A_100 = arith.constant 0 : i32
    %dma_wait3A_101 = tpu.memref_slice %arg15[%dma_wait3A_100] : memref<10000xf32, #tpu.memory_space<vmem_shared>> -> memref<10000xf32, #tpu.memory_space<vmem_shared>>
    tpu.wait_indirect_dma semaphore(%arg20 : memref<!tpu.dma_semaphore, #tpu.memory_space<semaphore_mem>>) src(%arg13 : memref<80xf32, #tpu.memory_space<vmem>>) dst(%dma_wait3A_101 : memref<10000xf32, #tpu.memory_space<vmem_shared>>)
    %dma_wait3A_102 = arith.constant 248 : i32
    %dma_wait3A_103 = arith.constant 0 : i32
    %dma_wait3A_104 = tpu.memref_slice %arg10[%dma_wait3A_102, %dma_wait3A_103] : memref<250x80xi32, #tpu.memory_space<vmem>> -> memref<1x80xi32, #tpu.memory_space<vmem>>
    %dma_wait3A_105 = tpu.memref_squeeze %dma_wait3A_104 : memref<1x80xi32, #tpu.memory_space<vmem>> -> memref<80xi32, #tpu.memory_space<vmem>>
    %dma_wait3A_106 = arith.constant 0 : i32
    %dma_wait3A_107 = tpu.memref_slice %arg15[%dma_wait3A_106] : memref<10000xf32, #tpu.memory_space<vmem_shared>> -> memref<10000xf32, #tpu.memory_space<vmem_shared>>
    tpu.wait_indirect_dma semaphore(%arg20 : memref<!tpu.dma_semaphore, #tpu.memory_space<semaphore_mem>>) src(%arg13 : memref<80xf32, #tpu.memory_space<vmem>>) dst(%dma_wait3A_107 : memref<10000xf32, #tpu.memory_space<vmem_shared>>)
    %dma_wait3A_108 = arith.constant 248 : i32
    %dma_wait3A_109 = arith.constant 0 : i32
    %dma_wait3A_110 = tpu.memref_slice %arg10[%dma_wait3A_108, %dma_wait3A_109] : memref<250x80xi32, #tpu.memory_space<vmem>> -> memref<1x80xi32, #tpu.memory_space<vmem>>
    %dma_wait3A_111 = tpu.memref_squeeze %dma_wait3A_110 : memref<1x80xi32, #tpu.memory_space<vmem>> -> memref<80xi32, #tpu.memory_space<vmem>>
    %dma_wait3A_112 = arith.constant 0 : i32
    %dma_wait3A_113 = tpu.memref_slice %arg15[%dma_wait3A_112] : memref<10000xf32, #tpu.memory_space<vmem_shared>> -> memref<10000xf32, #tpu.memory_space<vmem_shared>>
    tpu.wait_indirect_dma semaphore(%arg20 : memref<!tpu.dma_semaphore, #tpu.memory_space<semaphore_mem>>) src(%arg13 : memref<80xf32, #tpu.memory_space<vmem>>) dst(%dma_wait3A_113 : memref<10000xf32, #tpu.memory_space<vmem_shared>>)
    %dma_wait3A_114 = arith.constant 248 : i32
    %dma_wait3A_115 = arith.constant 0 : i32
    %dma_wait3A_116 = tpu.memref_slice %arg10[%dma_wait3A_114, %dma_wait3A_115] : memref<250x80xi32, #tpu.memory_space<vmem>> -> memref<1x80xi32, #tpu.memory_space<vmem>>
    %dma_wait3A_117 = tpu.memref_squeeze %dma_wait3A_116 : memref<1x80xi32, #tpu.memory_space<vmem>> -> memref<80xi32, #tpu.memory_space<vmem>>
    %dma_wait3A_118 = arith.constant 0 : i32
    %dma_wait3A_119 = arith.constant 0 : i32
    %dma_wait3A_120 = tpu.memref_slice %arg14[%dma_wait3A_118, %dma_wait3A_119] : memref<10000x64xf32, #tpu.memory_space<vmem_shared>> -> memref<10000x64xf32, #tpu.memory_space<vmem_shared>>
    tpu.wait_indirect_dma semaphore(%arg18 : memref<!tpu.dma_semaphore, #tpu.memory_space<semaphore_mem>>) src(%arg11 : memref<80x64xf32, #tpu.memory_space<vmem>>) dst(%dma_wait3A_120 : memref<10000x64xf32, #tpu.memory_space<vmem_shared>>)
    %dma_wait3A_121 = arith.constant 249 : i32
    %dma_wait3A_122 = arith.constant 0 : i32
    %dma_wait3A_123 = tpu.memref_slice %arg10[%dma_wait3A_121, %dma_wait3A_122] : memref<250x80xi32, #tpu.memory_space<vmem>> -> memref<1x80xi32, #tpu.memory_space<vmem>>
    %dma_wait3A_124 = tpu.memref_squeeze %dma_wait3A_123 : memref<1x80xi32, #tpu.memory_space<vmem>> -> memref<80xi32, #tpu.memory_space<vmem>>
    %dma_wait3A_125 = arith.constant 0 : i32
    %dma_wait3A_126 = arith.constant 0 : i32
    %dma_wait3A_127 = tpu.memref_slice %arg14[%dma_wait3A_125, %dma_wait3A_126] : memref<10000x64xf32, #tpu.memory_space<vmem_shared>> -> memref<10000x64xf32, #tpu.memory_space<vmem_shared>>
    tpu.wait_indirect_dma semaphore(%arg19 : memref<!tpu.dma_semaphore, #tpu.memory_space<semaphore_mem>>) src(%arg12 : memref<80x64xf32, #tpu.memory_space<vmem>>) dst(%dma_wait3A_127 : memref<10000x64xf32, #tpu.memory_space<vmem_shared>>)
    %barrier3A_128 = arith.constant 0 : index
    tpu.barrier barrier_id(%barrier3A_128)
    %run_scoped3A = arith.constant 0 : i32
    "tpu.region"() ({
      %run_scoped3A_212 = tpu.sem_alloc : memref<!tpu.dma_semaphore, #tpu.memory_space<semaphore_mem>>
      %dma_start3A_213 = arith.constant 0 : i32
      %dma_start3A_214 = tpu.memref_slice %arg7[%arg0, %run_scoped3A, %mul3A_29, %dma_start3A_213] : memref<2x2x10000x64xf32, #tpu.memory_space<hbm>> -> memref<1x1x624x64xf32, #tpu.memory_space<hbm>>
      %dma_start3A_215 = tpu.memref_squeeze %dma_start3A_214 : memref<1x1x624x64xf32, #tpu.memory_space<hbm>> -> memref<624x64xf32, #tpu.memory_space<hbm>>
      %dma_start3A_216 = arith.constant 0 : i32
      %dma_start3A_217 = tpu.memref_slice %arg14[%mul3A_29, %dma_start3A_216] : memref<10000x64xf32, #tpu.memory_space<vmem_shared>> -> memref<624x64xf32, #tpu.memory_space<vmem_shared>>
      tpu.enqueue_dma source(%dma_start3A_217 : memref<624x64xf32, #tpu.memory_space<vmem_shared>>) target(%dma_start3A_215 : memref<624x64xf32, #tpu.memory_space<hbm>>) target_semaphore(%run_scoped3A_212 : memref<!tpu.dma_semaphore, #tpu.memory_space<semaphore_mem>>)
      %dma_wait3A_218 = arith.constant 0 : i32
      %dma_wait3A_219 = tpu.memref_slice %arg7[%arg0, %run_scoped3A, %mul3A_29, %dma_wait3A_218] : memref<2x2x10000x64xf32, #tpu.memory_space<hbm>> -> memref<1x1x624x64xf32, #tpu.memory_space<hbm>>
      %dma_wait3A_220 = tpu.memref_squeeze %dma_wait3A_219 : memref<1x1x624x64xf32, #tpu.memory_space<hbm>> -> memref<624x64xf32, #tpu.memory_space<hbm>>
      %dma_wait3A_221 = arith.constant 0 : i32
      %dma_wait3A_222 = tpu.memref_slice %arg14[%mul3A_29, %dma_wait3A_221] : memref<10000x64xf32, #tpu.memory_space<vmem_shared>> -> memref<624x64xf32, #tpu.memory_space<vmem_shared>>
      tpu.wait_dma2 semaphore(%run_scoped3A_212 : memref<!tpu.dma_semaphore, #tpu.memory_space<semaphore_mem>>) src(%dma_wait3A_222 : memref<624x64xf32, #tpu.memory_space<vmem_shared>>) dst(%dma_wait3A_220 : memref<624x64xf32, #tpu.memory_space<hbm>>)
      tpu.yield
    }) : () -> ()
    %eq3A_129 = arith.constant 0 : i32
    %eq3A_130 = arith.cmpi eq, %arg1, %eq3A_129 : i32
    %convert_element_type3A_131 = arith.extui %eq3A_130 : i1 to i32
    %cond3A_132 = arith.constant 0 : i32
    %cond3A_133 = arith.cmpi ne, %convert_element_type3A_131, %cond3A_132 : i32
    scf.if %cond3A_133 {
      %run_scoped3A_212 = arith.constant 0 : i32
      "tpu.region"() ({
        %run_scoped3A_213 = tpu.sem_alloc : memref<!tpu.dma_semaphore, #tpu.memory_space<semaphore_mem>>
        %dma_start3A_214 = arith.constant 9984 : i32
        %dma_start3A_215 = arith.constant 0 : i32
        %dma_start3A_216 = tpu.memref_slice %arg7[%arg0, %run_scoped3A_212, %dma_start3A_214, %dma_start3A_215] : memref<2x2x10000x64xf32, #tpu.memory_space<hbm>> -> memref<1x1x16x64xf32, #tpu.memory_space<hbm>>
        %dma_start3A_217 = tpu.memref_squeeze %dma_start3A_216 : memref<1x1x16x64xf32, #tpu.memory_space<hbm>> -> memref<16x64xf32, #tpu.memory_space<hbm>>
        %dma_start3A_218 = arith.constant 9984 : i32
        %dma_start3A_219 = arith.constant 0 : i32
        %dma_start3A_220 = tpu.memref_slice %arg14[%dma_start3A_218, %dma_start3A_219] : memref<10000x64xf32, #tpu.memory_space<vmem_shared>> -> memref<16x64xf32, #tpu.memory_space<vmem_shared>>
        tpu.enqueue_dma source(%dma_start3A_220 : memref<16x64xf32, #tpu.memory_space<vmem_shared>>) target(%dma_start3A_217 : memref<16x64xf32, #tpu.memory_space<hbm>>) target_semaphore(%run_scoped3A_213 : memref<!tpu.dma_semaphore, #tpu.memory_space<semaphore_mem>>)
        %dma_wait3A_221 = arith.constant 9984 : i32
        %dma_wait3A_222 = arith.constant 0 : i32
        %dma_wait3A_223 = tpu.memref_slice %arg7[%arg0, %run_scoped3A_212, %dma_wait3A_221, %dma_wait3A_222] : memref<2x2x10000x64xf32, #tpu.memory_space<hbm>> -> memref<1x1x16x64xf32, #tpu.memory_space<hbm>>
        %dma_wait3A_224 = tpu.memref_squeeze %dma_wait3A_223 : memref<1x1x16x64xf32, #tpu.memory_space<hbm>> -> memref<16x64xf32, #tpu.memory_space<hbm>>
        %dma_wait3A_225 = arith.constant 9984 : i32
        %dma_wait3A_226 = arith.constant 0 : i32
        %dma_wait3A_227 = tpu.memref_slice %arg14[%dma_wait3A_225, %dma_wait3A_226] : memref<10000x64xf32, #tpu.memory_space<vmem_shared>> -> memref<16x64xf32, #tpu.memory_space<vmem_shared>>
        tpu.wait_dma2 semaphore(%run_scoped3A_213 : memref<!tpu.dma_semaphore, #tpu.memory_space<semaphore_mem>>) src(%dma_wait3A_227 : memref<16x64xf32, #tpu.memory_space<vmem_shared>>) dst(%dma_wait3A_224 : memref<16x64xf32, #tpu.memory_space<hbm>>)
        tpu.yield
      }) : () -> ()
      "tpu.region"() ({
        %run_scoped3A_213 = tpu.sem_alloc : memref<!tpu.dma_semaphore, #tpu.memory_space<semaphore_mem>>
        %dma_start3A_214 = arith.constant 0 : i32
        %dma_start3A_215 = tpu.memref_slice %arg8[%arg0, %dma_start3A_214] : memref<2x10000xf32, #tpu.memory_space<hbm>> -> memref<1x10000xf32, #tpu.memory_space<hbm>>
        %dma_start3A_216 = tpu.memref_squeeze %dma_start3A_215 : memref<1x10000xf32, #tpu.memory_space<hbm>> -> memref<10000xf32, #tpu.memory_space<hbm>>
        tpu.enqueue_dma source(%arg15 : memref<10000xf32, #tpu.memory_space<vmem_shared>>) target(%dma_start3A_216 : memref<10000xf32, #tpu.memory_space<hbm>>) target_semaphore(%run_scoped3A_213 : memref<!tpu.dma_semaphore, #tpu.memory_space<semaphore_mem>>)
        %dma_wait3A_217 = arith.constant 0 : i32
        %dma_wait3A_218 = tpu.memref_slice %arg8[%arg0, %dma_wait3A_217] : memref<2x10000xf32, #tpu.memory_space<hbm>> -> memref<1x10000xf32, #tpu.memory_space<hbm>>
        %dma_wait3A_219 = tpu.memref_squeeze %dma_wait3A_218 : memref<1x10000xf32, #tpu.memory_space<hbm>> -> memref<10000xf32, #tpu.memory_space<hbm>>
        tpu.wait_dma2 semaphore(%run_scoped3A_213 : memref<!tpu.dma_semaphore, #tpu.memory_space<semaphore_mem>>) src(%arg15 : memref<10000xf32, #tpu.memory_space<vmem_shared>>) dst(%dma_wait3A_219 : memref<10000xf32, #tpu.memory_space<hbm>>)
        tpu.yield
      }) : () -> ()
    } else {
    }
    %barrier3A_134 = arith.constant 0 : index
    tpu.barrier barrier_id(%barrier3A_134)
    "tpu.region"() ({
      %run_scoped3A_212 = tpu.sem_alloc : memref<!tpu.dma_semaphore, #tpu.memory_space<semaphore_mem>>
      %dma_start3A_213 = arith.constant 0 : i32
      %dma_start3A_214 = tpu.memref_slice %arg14[%mul3A_29, %dma_start3A_213] : memref<10000x64xf32, #tpu.memory_space<vmem_shared>> -> memref<624x64xf32, #tpu.memory_space<vmem_shared>>
      %dma_start3A_215 = arith.constant 0 : i32
      %dma_start3A_216 = tpu.memref_slice %arg5[%mul3A_29, %dma_start3A_215] : memref<10000x64xf32, #tpu.memory_space<hbm>> -> memref<624x64xf32, #tpu.memory_space<hbm>>
      tpu.enqueue_dma source(%dma_start3A_216 : memref<624x64xf32, #tpu.memory_space<hbm>>) target(%dma_start3A_214 : memref<624x64xf32, #tpu.memory_space<vmem_shared>>) target_semaphore(%run_scoped3A_212 : memref<!tpu.dma_semaphore, #tpu.memory_space<semaphore_mem>>)
      %dma_wait3A_217 = arith.constant 0 : i32
      %dma_wait3A_218 = tpu.memref_slice %arg14[%mul3A_29, %dma_wait3A_217] : memref<10000x64xf32, #tpu.memory_space<vmem_shared>> -> memref<624x64xf32, #tpu.memory_space<vmem_shared>>
      %dma_wait3A_219 = arith.constant 0 : i32
      %dma_wait3A_220 = tpu.memref_slice %arg5[%mul3A_29, %dma_wait3A_219] : memref<10000x64xf32, #tpu.memory_space<hbm>> -> memref<624x64xf32, #tpu.memory_space<hbm>>
      tpu.wait_dma2 semaphore(%run_scoped3A_212 : memref<!tpu.dma_semaphore, #tpu.memory_space<semaphore_mem>>) src(%dma_wait3A_220 : memref<624x64xf32, #tpu.memory_space<hbm>>) dst(%dma_wait3A_218 : memref<624x64xf32, #tpu.memory_space<vmem_shared>>)
      tpu.yield
    }) : () -> ()
    %eq3A_135 = arith.constant 0 : i32
    %eq3A_136 = arith.cmpi eq, %arg1, %eq3A_135 : i32
    %convert_element_type3A_137 = arith.extui %eq3A_136 : i1 to i32
    %cond3A_138 = arith.constant 0 : i32
    %cond3A_139 = arith.cmpi ne, %convert_element_type3A_137, %cond3A_138 : i32
    scf.if %cond3A_139 {
      "tpu.region"() ({
        %run_scoped3A_212 = tpu.sem_alloc : memref<!tpu.dma_semaphore, #tpu.memory_space<semaphore_mem>>
        %dma_start3A_213 = arith.constant 9984 : i32
        %dma_start3A_214 = arith.constant 0 : i32
        %dma_start3A_215 = tpu.memref_slice %arg14[%dma_start3A_213, %dma_start3A_214] : memref<10000x64xf32, #tpu.memory_space<vmem_shared>> -> memref<16x64xf32, #tpu.memory_space<vmem_shared>>
        %dma_start3A_216 = arith.constant 9984 : i32
        %dma_start3A_217 = arith.constant 0 : i32
        %dma_start3A_218 = tpu.memref_slice %arg5[%dma_start3A_216, %dma_start3A_217] : memref<10000x64xf32, #tpu.memory_space<hbm>> -> memref<16x64xf32, #tpu.memory_space<hbm>>
        tpu.enqueue_dma source(%dma_start3A_218 : memref<16x64xf32, #tpu.memory_space<hbm>>) target(%dma_start3A_215 : memref<16x64xf32, #tpu.memory_space<vmem_shared>>) target_semaphore(%run_scoped3A_212 : memref<!tpu.dma_semaphore, #tpu.memory_space<semaphore_mem>>)
        %dma_wait3A_219 = arith.constant 9984 : i32
        %dma_wait3A_220 = arith.constant 0 : i32
        %dma_wait3A_221 = tpu.memref_slice %arg14[%dma_wait3A_219, %dma_wait3A_220] : memref<10000x64xf32, #tpu.memory_space<vmem_shared>> -> memref<16x64xf32, #tpu.memory_space<vmem_shared>>
        %dma_wait3A_222 = arith.constant 9984 : i32
        %dma_wait3A_223 = arith.constant 0 : i32
        %dma_wait3A_224 = tpu.memref_slice %arg5[%dma_wait3A_222, %dma_wait3A_223] : memref<10000x64xf32, #tpu.memory_space<hbm>> -> memref<16x64xf32, #tpu.memory_space<hbm>>
        tpu.wait_dma2 semaphore(%run_scoped3A_212 : memref<!tpu.dma_semaphore, #tpu.memory_space<semaphore_mem>>) src(%dma_wait3A_224 : memref<16x64xf32, #tpu.memory_space<hbm>>) dst(%dma_wait3A_221 : memref<16x64xf32, #tpu.memory_space<vmem_shared>>)
        tpu.yield
      }) : () -> ()
    } else {
    }
    %barrier3A_140 = arith.constant 0 : index
    tpu.barrier barrier_id(%barrier3A_140)
    %dma_start3A_141 = arith.constant 0 : i32
    %dma_start3A_142 = arith.constant 0 : i32
    %dma_start3A_143 = tpu.memref_slice %arg9[%dma_start3A_141, %dma_start3A_142] : memref<250x80xi32, #tpu.memory_space<vmem>> -> memref<1x80xi32, #tpu.memory_space<vmem>>
    %dma_start3A_144 = tpu.memref_squeeze %dma_start3A_143 : memref<1x80xi32, #tpu.memory_space<vmem>> -> memref<80xi32, #tpu.memory_space<vmem>>
    %dma_start3A_145 = arith.constant 0 : i32
    %dma_start3A_146 = arith.constant 0 : i32
    %dma_start3A_147 = tpu.memref_slice %arg3[%dma_start3A_145, %dma_start3A_146] : memref<10000x64xf32, #tpu.memory_space<hbm>> -> memref<10000x64xf32, #tpu.memory_space<hbm>>
    tpu.enqueue_indirect_dma source(%dma_start3A_147 : memref<10000x64xf32, #tpu.memory_space<hbm>>) target(%arg11 : memref<80x64xf32, #tpu.memory_space<vmem>>) offsets(%dma_start3A_144 : memref<80xi32, #tpu.memory_space<vmem>>) semaphore(%arg16 : memref<!tpu.dma_semaphore, #tpu.memory_space<semaphore_mem>>)
    %dma_start3A_148 = arith.constant 1 : i32
    %dma_start3A_149 = arith.constant 0 : i32
    %dma_start3A_150 = tpu.memref_slice %arg9[%dma_start3A_148, %dma_start3A_149] : memref<250x80xi32, #tpu.memory_space<vmem>> -> memref<1x80xi32, #tpu.memory_space<vmem>>
    %dma_start3A_151 = tpu.memref_squeeze %dma_start3A_150 : memref<1x80xi32, #tpu.memory_space<vmem>> -> memref<80xi32, #tpu.memory_space<vmem>>
    %dma_start3A_152 = arith.constant 0 : i32
    %dma_start3A_153 = arith.constant 0 : i32
    %dma_start3A_154 = tpu.memref_slice %arg3[%dma_start3A_152, %dma_start3A_153] : memref<10000x64xf32, #tpu.memory_space<hbm>> -> memref<10000x64xf32, #tpu.memory_space<hbm>>
    tpu.enqueue_indirect_dma source(%dma_start3A_154 : memref<10000x64xf32, #tpu.memory_space<hbm>>) target(%arg12 : memref<80x64xf32, #tpu.memory_space<vmem>>) offsets(%dma_start3A_151 : memref<80xi32, #tpu.memory_space<vmem>>) semaphore(%arg17 : memref<!tpu.dma_semaphore, #tpu.memory_space<semaphore_mem>>)
    %scan3A_155 = arith.constant 0 : i32
    %scan3A_156 = arith.constant 0 : i32
    %scan3A_157 = arith.constant 124 : i32
    %scan3A_158 = arith.addi %scan3A_156, %scan3A_157 : i32
    %scan3A_159 = arith.constant 1 : i32
    %scan3A_160 = scf.for %scan3A_212 = %scan3A_156 to %scan3A_158 step %scan3A_159 iter_args(%scan3A_213 = %scan3A_155) -> (i32)  : i32 {
      %mul3A_214 = arith.constant 2 : i32
      %mul3A_215 = arith.muli %mul3A_214, %scan3A_212 : i32
      %add3A = arith.constant 1 : i32
      %add3A_216 = arith.addi %mul3A_215, %add3A : i32
      %dma_wait3A_217 = arith.constant 0 : i32
      %dma_wait3A_218 = tpu.memref_slice %arg9[%mul3A_215, %dma_wait3A_217] : memref<250x80xi32, #tpu.memory_space<vmem>> -> memref<1x80xi32, #tpu.memory_space<vmem>>
      %dma_wait3A_219 = tpu.memref_squeeze %dma_wait3A_218 : memref<1x80xi32, #tpu.memory_space<vmem>> -> memref<80xi32, #tpu.memory_space<vmem>>
      %dma_wait3A_220 = arith.constant 0 : i32
      %dma_wait3A_221 = arith.constant 0 : i32
      %dma_wait3A_222 = tpu.memref_slice %arg3[%dma_wait3A_220, %dma_wait3A_221] : memref<10000x64xf32, #tpu.memory_space<hbm>> -> memref<10000x64xf32, #tpu.memory_space<hbm>>
      tpu.wait_indirect_dma semaphore(%arg16 : memref<!tpu.dma_semaphore, #tpu.memory_space<semaphore_mem>>) src(%dma_wait3A_222 : memref<10000x64xf32, #tpu.memory_space<hbm>>) dst(%arg11 : memref<80x64xf32, #tpu.memory_space<vmem>>)
      %dma_start3A_223 = arith.constant 0 : i32
      %dma_start3A_224 = tpu.memref_slice %arg10[%mul3A_215, %dma_start3A_223] : memref<250x80xi32, #tpu.memory_space<vmem>> -> memref<1x80xi32, #tpu.memory_space<vmem>>
      %dma_start3A_225 = tpu.memref_squeeze %dma_start3A_224 : memref<1x80xi32, #tpu.memory_space<vmem>> -> memref<80xi32, #tpu.memory_space<vmem>>
      %dma_start3A_226 = arith.constant 0 : i32
      %dma_start3A_227 = arith.constant 0 : i32
      %dma_start3A_228 = tpu.memref_slice %arg14[%dma_start3A_226, %dma_start3A_227] : memref<10000x64xf32, #tpu.memory_space<vmem_shared>> -> memref<10000x64xf32, #tpu.memory_space<vmem_shared>>
      tpu.enqueue_indirect_dma source(%arg11 : memref<80x64xf32, #tpu.memory_space<vmem>>) target(%dma_start3A_228 : memref<10000x64xf32, #tpu.memory_space<vmem_shared>>) offsets(%dma_start3A_225 : memref<80xi32, #tpu.memory_space<vmem>>) semaphore(%arg18 : memref<!tpu.dma_semaphore, #tpu.memory_space<semaphore_mem>>) {add = true}
      %dma_wait3A_229 = arith.constant 0 : i32
      %dma_wait3A_230 = tpu.memref_slice %arg9[%add3A_216, %dma_wait3A_229] : memref<250x80xi32, #tpu.memory_space<vmem>> -> memref<1x80xi32, #tpu.memory_space<vmem>>
      %dma_wait3A_231 = tpu.memref_squeeze %dma_wait3A_230 : memref<1x80xi32, #tpu.memory_space<vmem>> -> memref<80xi32, #tpu.memory_space<vmem>>
      %dma_wait3A_232 = arith.constant 0 : i32
      %dma_wait3A_233 = arith.constant 0 : i32
      %dma_wait3A_234 = tpu.memref_slice %arg3[%dma_wait3A_232, %dma_wait3A_233] : memref<10000x64xf32, #tpu.memory_space<hbm>> -> memref<10000x64xf32, #tpu.memory_space<hbm>>
      tpu.wait_indirect_dma semaphore(%arg17 : memref<!tpu.dma_semaphore, #tpu.memory_space<semaphore_mem>>) src(%dma_wait3A_234 : memref<10000x64xf32, #tpu.memory_space<hbm>>) dst(%arg12 : memref<80x64xf32, #tpu.memory_space<vmem>>)
      %dma_start3A_235 = arith.constant 0 : i32
      %dma_start3A_236 = tpu.memref_slice %arg10[%add3A_216, %dma_start3A_235] : memref<250x80xi32, #tpu.memory_space<vmem>> -> memref<1x80xi32, #tpu.memory_space<vmem>>
      %dma_start3A_237 = tpu.memref_squeeze %dma_start3A_236 : memref<1x80xi32, #tpu.memory_space<vmem>> -> memref<80xi32, #tpu.memory_space<vmem>>
      %dma_start3A_238 = arith.constant 0 : i32
      %dma_start3A_239 = arith.constant 0 : i32
      %dma_start3A_240 = tpu.memref_slice %arg14[%dma_start3A_238, %dma_start3A_239] : memref<10000x64xf32, #tpu.memory_space<vmem_shared>> -> memref<10000x64xf32, #tpu.memory_space<vmem_shared>>
      tpu.enqueue_indirect_dma source(%arg12 : memref<80x64xf32, #tpu.memory_space<vmem>>) target(%dma_start3A_240 : memref<10000x64xf32, #tpu.memory_space<vmem_shared>>) offsets(%dma_start3A_237 : memref<80xi32, #tpu.memory_space<vmem>>) semaphore(%arg19 : memref<!tpu.dma_semaphore, #tpu.memory_space<semaphore_mem>>) {add = true}
      %dma_wait3A_241 = arith.constant 0 : i32
      %dma_wait3A_242 = tpu.memref_slice %arg10[%mul3A_215, %dma_wait3A_241] : memref<250x80xi32, #tpu.memory_space<vmem>> -> memref<1x80xi32, #tpu.memory_space<vmem>>
      %dma_wait3A_243 = tpu.memref_squeeze %dma_wait3A_242 : memref<1x80xi32, #tpu.memory_space<vmem>> -> memref<80xi32, #tpu.memory_space<vmem>>
      %dma_wait3A_244 = arith.constant 0 : i32
      %dma_wait3A_245 = arith.constant 0 : i32
      %dma_wait3A_246 = tpu.memref_slice %arg14[%dma_wait3A_244, %dma_wait3A_245] : memref<10000x64xf32, #tpu.memory_space<vmem_shared>> -> memref<10000x64xf32, #tpu.memory_space<vmem_shared>>
      tpu.wait_indirect_dma semaphore(%arg18 : memref<!tpu.dma_semaphore, #tpu.memory_space<semaphore_mem>>) src(%arg11 : memref<80x64xf32, #tpu.memory_space<vmem>>) dst(%dma_wait3A_246 : memref<10000x64xf32, #tpu.memory_space<vmem_shared>>)
      %add3A_247 = arith.constant 2 : i32
      %add3A_248 = arith.addi %mul3A_215, %add3A_247 : i32
      %dma_start3A_249 = arith.constant 0 : i32
      %dma_start3A_250 = tpu.memref_slice %arg9[%add3A_248, %dma_start3A_249] : memref<250x80xi32, #tpu.memory_space<vmem>> -> memref<1x80xi32, #tpu.memory_space<vmem>>
      %dma_start3A_251 = tpu.memref_squeeze %dma_start3A_250 : memref<1x80xi32, #tpu.memory_space<vmem>> -> memref<80xi32, #tpu.memory_space<vmem>>
      %dma_start3A_252 = arith.constant 0 : i32
      %dma_start3A_253 = arith.constant 0 : i32
      %dma_start3A_254 = tpu.memref_slice %arg3[%dma_start3A_252, %dma_start3A_253] : memref<10000x64xf32, #tpu.memory_space<hbm>> -> memref<10000x64xf32, #tpu.memory_space<hbm>>
      tpu.enqueue_indirect_dma source(%dma_start3A_254 : memref<10000x64xf32, #tpu.memory_space<hbm>>) target(%arg11 : memref<80x64xf32, #tpu.memory_space<vmem>>) offsets(%dma_start3A_251 : memref<80xi32, #tpu.memory_space<vmem>>) semaphore(%arg16 : memref<!tpu.dma_semaphore, #tpu.memory_space<semaphore_mem>>)
      %dma_wait3A_255 = arith.constant 0 : i32
      %dma_wait3A_256 = tpu.memref_slice %arg10[%add3A_216, %dma_wait3A_255] : memref<250x80xi32, #tpu.memory_space<vmem>> -> memref<1x80xi32, #tpu.memory_space<vmem>>
      %dma_wait3A_257 = tpu.memref_squeeze %dma_wait3A_256 : memref<1x80xi32, #tpu.memory_space<vmem>> -> memref<80xi32, #tpu.memory_space<vmem>>
      %dma_wait3A_258 = arith.constant 0 : i32
      %dma_wait3A_259 = arith.constant 0 : i32
      %dma_wait3A_260 = tpu.memref_slice %arg14[%dma_wait3A_258, %dma_wait3A_259] : memref<10000x64xf32, #tpu.memory_space<vmem_shared>> -> memref<10000x64xf32, #tpu.memory_space<vmem_shared>>
      tpu.wait_indirect_dma semaphore(%arg19 : memref<!tpu.dma_semaphore, #tpu.memory_space<semaphore_mem>>) src(%arg12 : memref<80x64xf32, #tpu.memory_space<vmem>>) dst(%dma_wait3A_260 : memref<10000x64xf32, #tpu.memory_space<vmem_shared>>)
      %add3A_261 = arith.constant 2 : i32
      %add3A_262 = arith.addi %add3A_216, %add3A_261 : i32
      %dma_start3A_263 = arith.constant 0 : i32
      %dma_start3A_264 = tpu.memref_slice %arg9[%add3A_262, %dma_start3A_263] : memref<250x80xi32, #tpu.memory_space<vmem>> -> memref<1x80xi32, #tpu.memory_space<vmem>>
      %dma_start3A_265 = tpu.memref_squeeze %dma_start3A_264 : memref<1x80xi32, #tpu.memory_space<vmem>> -> memref<80xi32, #tpu.memory_space<vmem>>
      %dma_start3A_266 = arith.constant 0 : i32
      %dma_start3A_267 = arith.constant 0 : i32
      %dma_start3A_268 = tpu.memref_slice %arg3[%dma_start3A_266, %dma_start3A_267] : memref<10000x64xf32, #tpu.memory_space<hbm>> -> memref<10000x64xf32, #tpu.memory_space<hbm>>
      tpu.enqueue_indirect_dma source(%dma_start3A_268 : memref<10000x64xf32, #tpu.memory_space<hbm>>) target(%arg12 : memref<80x64xf32, #tpu.memory_space<vmem>>) offsets(%dma_start3A_265 : memref<80xi32, #tpu.memory_space<vmem>>) semaphore(%arg17 : memref<!tpu.dma_semaphore, #tpu.memory_space<semaphore_mem>>)
      %scan3A_269 = arith.constant 0 : i32
      scf.yield %scan3A_269 : i32
    }
    %scan3A_161 = arith.constant 124 : i32
    %dma_wait3A_162 = arith.constant 248 : i32
    %dma_wait3A_163 = arith.constant 0 : i32
    %dma_wait3A_164 = tpu.memref_slice %arg9[%dma_wait3A_162, %dma_wait3A_163] : memref<250x80xi32, #tpu.memory_space<vmem>> -> memref<1x80xi32, #tpu.memory_space<vmem>>
    %dma_wait3A_165 = tpu.memref_squeeze %dma_wait3A_164 : memref<1x80xi32, #tpu.memory_space<vmem>> -> memref<80xi32, #tpu.memory_space<vmem>>
    %dma_wait3A_166 = arith.constant 0 : i32
    %dma_wait3A_167 = arith.constant 0 : i32
    %dma_wait3A_168 = tpu.memref_slice %arg3[%dma_wait3A_166, %dma_wait3A_167] : memref<10000x64xf32, #tpu.memory_space<hbm>> -> memref<10000x64xf32, #tpu.memory_space<hbm>>
    tpu.wait_indirect_dma semaphore(%arg16 : memref<!tpu.dma_semaphore, #tpu.memory_space<semaphore_mem>>) src(%dma_wait3A_168 : memref<10000x64xf32, #tpu.memory_space<hbm>>) dst(%arg11 : memref<80x64xf32, #tpu.memory_space<vmem>>)
    %dma_start3A_169 = arith.constant 248 : i32
    %dma_start3A_170 = arith.constant 0 : i32
    %dma_start3A_171 = tpu.memref_slice %arg10[%dma_start3A_169, %dma_start3A_170] : memref<250x80xi32, #tpu.memory_space<vmem>> -> memref<1x80xi32, #tpu.memory_space<vmem>>
    %dma_start3A_172 = tpu.memref_squeeze %dma_start3A_171 : memref<1x80xi32, #tpu.memory_space<vmem>> -> memref<80xi32, #tpu.memory_space<vmem>>
    %dma_start3A_173 = arith.constant 0 : i32
    %dma_start3A_174 = arith.constant 0 : i32
    %dma_start3A_175 = tpu.memref_slice %arg14[%dma_start3A_173, %dma_start3A_174] : memref<10000x64xf32, #tpu.memory_space<vmem_shared>> -> memref<10000x64xf32, #tpu.memory_space<vmem_shared>>
    tpu.enqueue_indirect_dma source(%arg11 : memref<80x64xf32, #tpu.memory_space<vmem>>) target(%dma_start3A_175 : memref<10000x64xf32, #tpu.memory_space<vmem_shared>>) offsets(%dma_start3A_172 : memref<80xi32, #tpu.memory_space<vmem>>) semaphore(%arg18 : memref<!tpu.dma_semaphore, #tpu.memory_space<semaphore_mem>>) {add = true}
    %dma_wait3A_176 = arith.constant 249 : i32
    %dma_wait3A_177 = arith.constant 0 : i32
    %dma_wait3A_178 = tpu.memref_slice %arg9[%dma_wait3A_176, %dma_wait3A_177] : memref<250x80xi32, #tpu.memory_space<vmem>> -> memref<1x80xi32, #tpu.memory_space<vmem>>
    %dma_wait3A_179 = tpu.memref_squeeze %dma_wait3A_178 : memref<1x80xi32, #tpu.memory_space<vmem>> -> memref<80xi32, #tpu.memory_space<vmem>>
    %dma_wait3A_180 = arith.constant 0 : i32
    %dma_wait3A_181 = arith.constant 0 : i32
    %dma_wait3A_182 = tpu.memref_slice %arg3[%dma_wait3A_180, %dma_wait3A_181] : memref<10000x64xf32, #tpu.memory_space<hbm>> -> memref<10000x64xf32, #tpu.memory_space<hbm>>
    tpu.wait_indirect_dma semaphore(%arg17 : memref<!tpu.dma_semaphore, #tpu.memory_space<semaphore_mem>>) src(%dma_wait3A_182 : memref<10000x64xf32, #tpu.memory_space<hbm>>) dst(%arg12 : memref<80x64xf32, #tpu.memory_space<vmem>>)
    %dma_start3A_183 = arith.constant 249 : i32
    %dma_start3A_184 = arith.constant 0 : i32
    %dma_start3A_185 = tpu.memref_slice %arg10[%dma_start3A_183, %dma_start3A_184] : memref<250x80xi32, #tpu.memory_space<vmem>> -> memref<1x80xi32, #tpu.memory_space<vmem>>
    %dma_start3A_186 = tpu.memref_squeeze %dma_start3A_185 : memref<1x80xi32, #tpu.memory_space<vmem>> -> memref<80xi32, #tpu.memory_space<vmem>>
    %dma_start3A_187 = arith.constant 0 : i32
    %dma_start3A_188 = arith.constant 0 : i32
    %dma_start3A_189 = tpu.memref_slice %arg14[%dma_start3A_187, %dma_start3A_188] : memref<10000x64xf32, #tpu.memory_space<vmem_shared>> -> memref<10000x64xf32, #tpu.memory_space<vmem_shared>>
    tpu.enqueue_indirect_dma source(%arg12 : memref<80x64xf32, #tpu.memory_space<vmem>>) target(%dma_start3A_189 : memref<10000x64xf32, #tpu.memory_space<vmem_shared>>) offsets(%dma_start3A_186 : memref<80xi32, #tpu.memory_space<vmem>>) semaphore(%arg19 : memref<!tpu.dma_semaphore, #tpu.memory_space<semaphore_mem>>) {add = true}
    %dma_wait3A_190 = arith.constant 248 : i32
    %dma_wait3A_191 = arith.constant 0 : i32
    %dma_wait3A_192 = tpu.memref_slice %arg10[%dma_wait3A_190, %dma_wait3A_191] : memref<250x80xi32, #tpu.memory_space<vmem>> -> memref<1x80xi32, #tpu.memory_space<vmem>>
    %dma_wait3A_193 = tpu.memref_squeeze %dma_wait3A_192 : memref<1x80xi32, #tpu.memory_space<vmem>> -> memref<80xi32, #tpu.memory_space<vmem>>
    %dma_wait3A_194 = arith.constant 0 : i32
    %dma_wait3A_195 = arith.constant 0 : i32
    %dma_wait3A_196 = tpu.memref_slice %arg14[%dma_wait3A_194, %dma_wait3A_195] : memref<10000x64xf32, #tpu.memory_space<vmem_shared>> -> memref<10000x64xf32, #tpu.memory_space<vmem_shared>>
    tpu.wait_indirect_dma semaphore(%arg18 : memref<!tpu.dma_semaphore, #tpu.memory_space<semaphore_mem>>) src(%arg11 : memref<80x64xf32, #tpu.memory_space<vmem>>) dst(%dma_wait3A_196 : memref<10000x64xf32, #tpu.memory_space<vmem_shared>>)
    %dma_wait3A_197 = arith.constant 249 : i32
    %dma_wait3A_198 = arith.constant 0 : i32
    %dma_wait3A_199 = tpu.memref_slice %arg10[%dma_wait3A_197, %dma_wait3A_198] : memref<250x80xi32, #tpu.memory_space<vmem>> -> memref<1x80xi32, #tpu.memory_space<vmem>>
    %dma_wait3A_200 = tpu.memref_squeeze %dma_wait3A_199 : memref<1x80xi32, #tpu.memory_space<vmem>> -> memref<80xi32, #tpu.memory_space<vmem>>
    %dma_wait3A_201 = arith.constant 0 : i32
    %dma_wait3A_202 = arith.constant 0 : i32
    %dma_wait3A_203 = tpu.memref_slice %arg14[%dma_wait3A_201, %dma_wait3A_202] : memref<10000x64xf32, #tpu.memory_space<vmem_shared>> -> memref<10000x64xf32, #tpu.memory_space<vmem_shared>>
    tpu.wait_indirect_dma semaphore(%arg19 : memref<!tpu.dma_semaphore, #tpu.memory_space<semaphore_mem>>) src(%arg12 : memref<80x64xf32, #tpu.memory_space<vmem>>) dst(%dma_wait3A_203 : memref<10000x64xf32, #tpu.memory_space<vmem_shared>>)
    %barrier3A_204 = arith.constant 0 : index
    tpu.barrier barrier_id(%barrier3A_204)
    %run_scoped3A_205 = arith.constant 1 : i32
    "tpu.region"() ({
      %run_scoped3A_212 = tpu.sem_alloc : memref<!tpu.dma_semaphore, #tpu.memory_space<semaphore_mem>>
      %dma_start3A_213 = arith.constant 0 : i32
      %dma_start3A_214 = tpu.memref_slice %arg7[%arg0, %run_scoped3A_205, %mul3A_29, %dma_start3A_213] : memref<2x2x10000x64xf32, #tpu.memory_space<hbm>> -> memref<1x1x624x64xf32, #tpu.memory_space<hbm>>
      %dma_start3A_215 = tpu.memref_squeeze %dma_start3A_214 : memref<1x1x624x64xf32, #tpu.memory_space<hbm>> -> memref<624x64xf32, #tpu.memory_space<hbm>>
      %dma_start3A_216 = arith.constant 0 : i32
      %dma_start3A_217 = tpu.memref_slice %arg14[%mul3A_29, %dma_start3A_216] : memref<10000x64xf32, #tpu.memory_space<vmem_shared>> -> memref<624x64xf32, #tpu.memory_space<vmem_shared>>
      tpu.enqueue_dma source(%dma_start3A_217 : memref<624x64xf32, #tpu.memory_space<vmem_shared>>) target(%dma_start3A_215 : memref<624x64xf32, #tpu.memory_space<hbm>>) target_semaphore(%run_scoped3A_212 : memref<!tpu.dma_semaphore, #tpu.memory_space<semaphore_mem>>)
      %dma_wait3A_218 = arith.constant 0 : i32
      %dma_wait3A_219 = tpu.memref_slice %arg7[%arg0, %run_scoped3A_205, %mul3A_29, %dma_wait3A_218] : memref<2x2x10000x64xf32, #tpu.memory_space<hbm>> -> memref<1x1x624x64xf32, #tpu.memory_space<hbm>>
      %dma_wait3A_220 = tpu.memref_squeeze %dma_wait3A_219 : memref<1x1x624x64xf32, #tpu.memory_space<hbm>> -> memref<624x64xf32, #tpu.memory_space<hbm>>
      %dma_wait3A_221 = arith.constant 0 : i32
      %dma_wait3A_222 = tpu.memref_slice %arg14[%mul3A_29, %dma_wait3A_221] : memref<10000x64xf32, #tpu.memory_space<vmem_shared>> -> memref<624x64xf32, #tpu.memory_space<vmem_shared>>
      tpu.wait_dma2 semaphore(%run_scoped3A_212 : memref<!tpu.dma_semaphore, #tpu.memory_space<semaphore_mem>>) src(%dma_wait3A_222 : memref<624x64xf32, #tpu.memory_space<vmem_shared>>) dst(%dma_wait3A_220 : memref<624x64xf32, #tpu.memory_space<hbm>>)
      tpu.yield
    }) : () -> ()
    %eq3A_206 = arith.constant 0 : i32
    %eq3A_207 = arith.cmpi eq, %arg1, %eq3A_206 : i32
    %convert_element_type3A_208 = arith.extui %eq3A_207 : i1 to i32
    %cond3A_209 = arith.constant 0 : i32
    %cond3A_210 = arith.cmpi ne, %convert_element_type3A_208, %cond3A_209 : i32
    scf.if %cond3A_210 {
      %run_scoped3A_212 = arith.constant 1 : i32
      "tpu.region"() ({
        %run_scoped3A_213 = tpu.sem_alloc : memref<!tpu.dma_semaphore, #tpu.memory_space<semaphore_mem>>
        %dma_start3A_214 = arith.constant 9984 : i32
        %dma_start3A_215 = arith.constant 0 : i32
        %dma_start3A_216 = tpu.memref_slice %arg7[%arg0, %run_scoped3A_212, %dma_start3A_214, %dma_start3A_215] : memref<2x2x10000x64xf32, #tpu.memory_space<hbm>> -> memref<1x1x16x64xf32, #tpu.memory_space<hbm>>
        %dma_start3A_217 = tpu.memref_squeeze %dma_start3A_216 : memref<1x1x16x64xf32, #tpu.memory_space<hbm>> -> memref<16x64xf32, #tpu.memory_space<hbm>>
        %dma_start3A_218 = arith.constant 9984 : i32
        %dma_start3A_219 = arith.constant 0 : i32
        %dma_start3A_220 = tpu.memref_slice %arg14[%dma_start3A_218, %dma_start3A_219] : memref<10000x64xf32, #tpu.memory_space<vmem_shared>> -> memref<16x64xf32, #tpu.memory_space<vmem_shared>>
        tpu.enqueue_dma source(%dma_start3A_220 : memref<16x64xf32, #tpu.memory_space<vmem_shared>>) target(%dma_start3A_217 : memref<16x64xf32, #tpu.memory_space<hbm>>) target_semaphore(%run_scoped3A_213 : memref<!tpu.dma_semaphore, #tpu.memory_space<semaphore_mem>>)
        %dma_wait3A_221 = arith.constant 9984 : i32
        %dma_wait3A_222 = arith.constant 0 : i32
        %dma_wait3A_223 = tpu.memref_slice %arg7[%arg0, %run_scoped3A_212, %dma_wait3A_221, %dma_wait3A_222] : memref<2x2x10000x64xf32, #tpu.memory_space<hbm>> -> memref<1x1x16x64xf32, #tpu.memory_space<hbm>>
        %dma_wait3A_224 = tpu.memref_squeeze %dma_wait3A_223 : memref<1x1x16x64xf32, #tpu.memory_space<hbm>> -> memref<16x64xf32, #tpu.memory_space<hbm>>
        %dma_wait3A_225 = arith.constant 9984 : i32
        %dma_wait3A_226 = arith.constant 0 : i32
        %dma_wait3A_227 = tpu.memref_slice %arg14[%dma_wait3A_225, %dma_wait3A_226] : memref<10000x64xf32, #tpu.memory_space<vmem_shared>> -> memref<16x64xf32, #tpu.memory_space<vmem_shared>>
        tpu.wait_dma2 semaphore(%run_scoped3A_213 : memref<!tpu.dma_semaphore, #tpu.memory_space<semaphore_mem>>) src(%dma_wait3A_227 : memref<16x64xf32, #tpu.memory_space<vmem_shared>>) dst(%dma_wait3A_224 : memref<16x64xf32, #tpu.memory_space<hbm>>)
        tpu.yield
      }) : () -> ()
    } else {
    }
    %barrier3A_211 = arith.constant 0 : index
    tpu.barrier barrier_id(%barrier3A_211)
    return
  }
}

module attributes {stable_mosaic.version = 14 : i64} {
  func.func @_tc_body(%arg0: i32, %arg1: memref<1000x128xf32, #tpu.memory_space<vmem>>, %arg2: memref<1000x64xf32, #tpu.memory_space<vmem>>, %arg3: memref<1000x64xf32, #tpu.memory_space<vmem>>, %arg4: memref<1000x64xf32, #tpu.memory_space<vmem>>, %arg5: memref<1000x64xf32, #tpu.memory_space<vmem>>, %arg6: memref<1000x1xf32, #tpu.memory_space<vmem>>, %arg7: memref<1000x1xf32, #tpu.memory_space<vmem>>, %arg8: memref<128x128xf32, #tpu.memory_space<vmem>>, %arg9: memref<64x128xf32, #tpu.memory_space<vmem>>, %arg10: memref<64x128xf32, #tpu.memory_space<vmem>>, %arg11: memref<64x128xf32, #tpu.memory_space<vmem>>, %arg12: memref<64x128xf32, #tpu.memory_space<vmem>>, %arg13: memref<1x128xf32, #tpu.memory_space<vmem>>, %arg14: memref<1000x128xf32, #tpu.memory_space<vmem>>) attributes {dimension_semantics = [#tpu.dimension_semantics<arbitrary>], iteration_bounds = array<i64: 10>, scalar_prefetch = 0 : i64, scratch_operands = 0 : i64, tpu.core_type = #tpu.core_type<tc>, window_params = [{transform_indices = @transform_0, window_bounds = array<i64: 1000, 128>}, {transform_indices = @transform_1, window_bounds = array<i64: 1000, 64>}, {transform_indices = @transform_2, window_bounds = array<i64: 1000, 64>}, {transform_indices = @transform_3, window_bounds = array<i64: 1000, 64>}, {transform_indices = @transform_4, window_bounds = array<i64: 1000, 64>}, {transform_indices = @transform_5, window_bounds = array<i64: 1000, 1>}, {transform_indices = @transform_6, window_bounds = array<i64: 1000, 1>}, {pipeline_mode = #tpu.pipeline_mode<synchronous>, transform_indices = @transform_7, window_bounds = array<i64: 128, 128>}, {pipeline_mode = #tpu.pipeline_mode<synchronous>, transform_indices = @transform_8, window_bounds = array<i64: 64, 128>}, {pipeline_mode = #tpu.pipeline_mode<synchronous>, transform_indices = @transform_9, window_bounds = array<i64: 64, 128>}, {pipeline_mode = #tpu.pipeline_mode<synchronous>, transform_indices = @transform_10, window_bounds = array<i64: 64, 128>}, {pipeline_mode = #tpu.pipeline_mode<synchronous>, transform_indices = @transform_11, window_bounds = array<i64: 64, 128>}, {pipeline_mode = #tpu.pipeline_mode<synchronous>, transform_indices = @transform_12, window_bounds = array<i64: 1, 128>}, {transform_indices = @transform_13, window_bounds = array<i64: 1000, 128>}]} {
    %get3A = arith.constant 0 : index
    %get3A_0 = arith.constant 0 : index
    %get3A_1 = vector.load %arg6[%get3A, %get3A_0] : memref<1000x1xf32, #tpu.memory_space<vmem>>, vector<1000x1xf32>
    %max3A = arith.constant 1.000000e+00 : f32
    %max3A_2 = vector.broadcast %max3A : f32 to vector<1000x1xf32>
    %max3A_3 = arith.maximumf %get3A_1, %max3A_2 : vector<1000x1xf32>
    %div3A = arith.constant 1.000000e+00 : f32
    %div3A_4 = vector.broadcast %div3A : f32 to vector<1000x1xf32>
    %div3A_5 = arith.divf %div3A_4, %max3A_3 : vector<1000x1xf32>
    %get3A_6 = arith.constant 0 : index
    %get3A_7 = arith.constant 0 : index
    %get3A_8 = vector.load %arg7[%get3A_6, %get3A_7] : memref<1000x1xf32, #tpu.memory_space<vmem>>, vector<1000x1xf32>
    %max3A_9 = arith.constant 1.000000e+00 : f32
    %max3A_10 = vector.broadcast %max3A_9 : f32 to vector<1000x1xf32>
    %max3A_11 = arith.maximumf %get3A_8, %max3A_10 : vector<1000x1xf32>
    %div3A_12 = arith.constant 1.000000e+00 : f32
    %div3A_13 = vector.broadcast %div3A_12 : f32 to vector<1000x1xf32>
    %div3A_14 = arith.divf %div3A_13, %max3A_11 : vector<1000x1xf32>
    %get3A_15 = arith.constant 0 : index
    %get3A_16 = arith.constant 0 : index
    %get3A_17 = vector.load %arg1[%get3A_15, %get3A_16] : memref<1000x128xf32, #tpu.memory_space<vmem>>, vector<1000x128xf32>
    %get3A_18 = arith.constant 0 : index
    %get3A_19 = arith.constant 0 : index
    %get3A_20 = vector.load %arg8[%get3A_18, %get3A_19] : memref<128x128xf32, #tpu.memory_space<vmem>>, vector<128x128xf32>
    %dot_general3A = arith.constant dense<0.000000e+00> : vector<1000x128xf32>
    %dot_general3A_21 = tpu.matmul %get3A_17, %get3A_20, %dot_general3A {dimension_numbers = #tpu.dot_dimension_numbers<[1], [0], [0], [1], [0, 0, 1, 1], [], []>, transpose_lhs_hint = false} : vector<1000x128xf32>, vector<128x128xf32>, vector<1000x128xf32> -> vector<1000x128xf32>
    %get3A_22 = arith.constant 0 : index
    %get3A_23 = arith.constant 0 : index
    %get3A_24 = vector.load %arg2[%get3A_22, %get3A_23] : memref<1000x64xf32, #tpu.memory_space<vmem>>, vector<1000x64xf32>
    %mul3A = vector.broadcast %div3A_5 : vector<1000x1xf32> to vector<1000x64xf32>
    %mul3A_25 = arith.mulf %get3A_24, %mul3A : vector<1000x64xf32>
    %get3A_26 = arith.constant 0 : index
    %get3A_27 = arith.constant 0 : index
    %get3A_28 = vector.load %arg9[%get3A_26, %get3A_27] : memref<64x128xf32, #tpu.memory_space<vmem>>, vector<64x128xf32>
    %dot_general3A_29 = arith.constant dense<0.000000e+00> : vector<1000x128xf32>
    %dot_general3A_30 = tpu.matmul %mul3A_25, %get3A_28, %dot_general3A_29 {dimension_numbers = #tpu.dot_dimension_numbers<[1], [0], [0], [1], [0, 0, 1, 1], [], []>, transpose_lhs_hint = false} : vector<1000x64xf32>, vector<64x128xf32>, vector<1000x128xf32> -> vector<1000x128xf32>
    %add3A = arith.addf %dot_general3A_21, %dot_general3A_30 : vector<1000x128xf32>
    %get3A_31 = arith.constant 0 : index
    %get3A_32 = arith.constant 0 : index
    %get3A_33 = vector.load %arg3[%get3A_31, %get3A_32] : memref<1000x64xf32, #tpu.memory_space<vmem>>, vector<1000x64xf32>
    %mul3A_34 = vector.broadcast %div3A_5 : vector<1000x1xf32> to vector<1000x64xf32>
    %mul3A_35 = arith.mulf %get3A_33, %mul3A_34 : vector<1000x64xf32>
    %get3A_36 = arith.constant 0 : index
    %get3A_37 = arith.constant 0 : index
    %get3A_38 = vector.load %arg10[%get3A_36, %get3A_37] : memref<64x128xf32, #tpu.memory_space<vmem>>, vector<64x128xf32>
    %dot_general3A_39 = arith.constant dense<0.000000e+00> : vector<1000x128xf32>
    %dot_general3A_40 = tpu.matmul %mul3A_35, %get3A_38, %dot_general3A_39 {dimension_numbers = #tpu.dot_dimension_numbers<[1], [0], [0], [1], [0, 0, 1, 1], [], []>, transpose_lhs_hint = false} : vector<1000x64xf32>, vector<64x128xf32>, vector<1000x128xf32> -> vector<1000x128xf32>
    %add3A_41 = arith.addf %add3A, %dot_general3A_40 : vector<1000x128xf32>
    %get3A_42 = arith.constant 0 : index
    %get3A_43 = arith.constant 0 : index
    %get3A_44 = vector.load %arg4[%get3A_42, %get3A_43] : memref<1000x64xf32, #tpu.memory_space<vmem>>, vector<1000x64xf32>
    %mul3A_45 = vector.broadcast %div3A_14 : vector<1000x1xf32> to vector<1000x64xf32>
    %mul3A_46 = arith.mulf %get3A_44, %mul3A_45 : vector<1000x64xf32>
    %get3A_47 = arith.constant 0 : index
    %get3A_48 = arith.constant 0 : index
    %get3A_49 = vector.load %arg11[%get3A_47, %get3A_48] : memref<64x128xf32, #tpu.memory_space<vmem>>, vector<64x128xf32>
    %dot_general3A_50 = arith.constant dense<0.000000e+00> : vector<1000x128xf32>
    %dot_general3A_51 = tpu.matmul %mul3A_46, %get3A_49, %dot_general3A_50 {dimension_numbers = #tpu.dot_dimension_numbers<[1], [0], [0], [1], [0, 0, 1, 1], [], []>, transpose_lhs_hint = false} : vector<1000x64xf32>, vector<64x128xf32>, vector<1000x128xf32> -> vector<1000x128xf32>
    %add3A_52 = arith.addf %add3A_41, %dot_general3A_51 : vector<1000x128xf32>
    %get3A_53 = arith.constant 0 : index
    %get3A_54 = arith.constant 0 : index
    %get3A_55 = vector.load %arg5[%get3A_53, %get3A_54] : memref<1000x64xf32, #tpu.memory_space<vmem>>, vector<1000x64xf32>
    %mul3A_56 = vector.broadcast %div3A_14 : vector<1000x1xf32> to vector<1000x64xf32>
    %mul3A_57 = arith.mulf %get3A_55, %mul3A_56 : vector<1000x64xf32>
    %get3A_58 = arith.constant 0 : index
    %get3A_59 = arith.constant 0 : index
    %get3A_60 = vector.load %arg12[%get3A_58, %get3A_59] : memref<64x128xf32, #tpu.memory_space<vmem>>, vector<64x128xf32>
    %dot_general3A_61 = arith.constant dense<0.000000e+00> : vector<1000x128xf32>
    %dot_general3A_62 = tpu.matmul %mul3A_57, %get3A_60, %dot_general3A_61 {dimension_numbers = #tpu.dot_dimension_numbers<[1], [0], [0], [1], [0, 0, 1, 1], [], []>, transpose_lhs_hint = false} : vector<1000x64xf32>, vector<64x128xf32>, vector<1000x128xf32> -> vector<1000x128xf32>
    %add3A_63 = arith.addf %add3A_52, %dot_general3A_62 : vector<1000x128xf32>
    %get3A_64 = arith.constant 0 : index
    %get3A_65 = arith.constant 0 : index
    %get3A_66 = vector.load %arg13[%get3A_64, %get3A_65] : memref<1x128xf32, #tpu.memory_space<vmem>>, vector<1x128xf32>
    %add3A_67 = vector.broadcast %get3A_66 : vector<1x128xf32> to vector<1000x128xf32>
    %add3A_68 = arith.addf %add3A_63, %add3A_67 : vector<1000x128xf32>
    %swap3A = arith.constant 0 : index
    %swap3A_69 = arith.constant 0 : index
    %swap3A_70 = vector.load %arg14[%swap3A, %swap3A_69] : memref<1000x128xf32, #tpu.memory_space<vmem>>, vector<1000x128xf32>
    tpu.vector_store %arg14[%swap3A, %swap3A_69], %add3A_68 {strides = array<i32>} : memref<1000x128xf32, #tpu.memory_space<vmem>>, vector<1000x128xf32>,
    return
  }
  func.func @transform_0(%arg0: i32) -> (i32, i32) {
    %c0_i32 = arith.constant 0 : i32
    %c0_i32_0 = arith.constant 0 : i32
    return %arg0, %c0_i32 : i32, i32
  }
  func.func @transform_1(%arg0: i32) -> (i32, i32) {
    %c0_i32 = arith.constant 0 : i32
    %c0_i32_0 = arith.constant 0 : i32
    return %arg0, %c0_i32 : i32, i32
  }
  func.func @transform_2(%arg0: i32) -> (i32, i32) {
    %c0_i32 = arith.constant 0 : i32
    %c0_i32_0 = arith.constant 0 : i32
    return %arg0, %c0_i32 : i32, i32
  }
  func.func @transform_3(%arg0: i32) -> (i32, i32) {
    %c0_i32 = arith.constant 0 : i32
    %c0_i32_0 = arith.constant 0 : i32
    return %arg0, %c0_i32 : i32, i32
  }
  func.func @transform_4(%arg0: i32) -> (i32, i32) {
    %c0_i32 = arith.constant 0 : i32
    %c0_i32_0 = arith.constant 0 : i32
    return %arg0, %c0_i32 : i32, i32
  }
  func.func @transform_5(%arg0: i32) -> (i32, i32) {
    %c0_i32 = arith.constant 0 : i32
    %c0_i32_0 = arith.constant 0 : i32
    return %arg0, %c0_i32 : i32, i32
  }
  func.func @transform_6(%arg0: i32) -> (i32, i32) {
    %c0_i32 = arith.constant 0 : i32
    %c0_i32_0 = arith.constant 0 : i32
    return %arg0, %c0_i32 : i32, i32
  }
  func.func @transform_7(%arg0: i32) -> (i32, i32) {
    %c0_i32 = arith.constant 0 : i32
    %c0_i32_0 = arith.constant 0 : i32
    %c0_i32_1 = arith.constant 0 : i32
    return %c0_i32, %c0_i32_0 : i32, i32
  }
  func.func @transform_8(%arg0: i32) -> (i32, i32) {
    %c0_i32 = arith.constant 0 : i32
    %c0_i32_0 = arith.constant 0 : i32
    %c0_i32_1 = arith.constant 0 : i32
    return %c0_i32, %c0_i32_0 : i32, i32
  }
  func.func @transform_9(%arg0: i32) -> (i32, i32) {
    %c0_i32 = arith.constant 0 : i32
    %c0_i32_0 = arith.constant 0 : i32
    %c0_i32_1 = arith.constant 0 : i32
    return %c0_i32, %c0_i32_0 : i32, i32
  }
  func.func @transform_10(%arg0: i32) -> (i32, i32) {
    %c0_i32 = arith.constant 0 : i32
    %c0_i32_0 = arith.constant 0 : i32
    %c0_i32_1 = arith.constant 0 : i32
    return %c0_i32, %c0_i32_0 : i32, i32
  }
  func.func @transform_11(%arg0: i32) -> (i32, i32) {
    %c0_i32 = arith.constant 0 : i32
    %c0_i32_0 = arith.constant 0 : i32
    %c0_i32_1 = arith.constant 0 : i32
    return %c0_i32, %c0_i32_0 : i32, i32
  }
  func.func @transform_12(%arg0: i32) -> (i32, i32) {
    %c0_i32 = arith.constant 0 : i32
    %c0_i32_0 = arith.constant 0 : i32
    %c0_i32_1 = arith.constant 0 : i32
    return %c0_i32, %c0_i32_0 : i32, i32
  }
  func.func @transform_13(%arg0: i32) -> (i32, i32) {
    %c0_i32 = arith.constant 0 : i32
    %c0_i32_0 = arith.constant 0 : i32
    return %arg0, %c0_i32 : i32, i32
  }
}

</mosaic_0001>

<sc_bundles>
// kernel: kernel.4.cloned.1.call-start
scs
__scs_entry_jumppad:
0x0: {  	(pc) =	sbr.rel $0x88, $3  }
0x1: {  	(tag) =	ssettag $0x0;
	lr =	simm.s32 $0x1  }
0x2: {  	[smem:$0x3F99] =	sst lr;
	_ =	strace $0xD0000000  }
0x3: {  	_ = 	snop  }
0x4: {  	_ = 	snop  }
0x5: {  	_ = 	snop  }
0x6: {  	_ = 	snop  }
0x7: {  	_ = 	snop  }
__scs_overlays_trampoline_lowered:
0x8: {  	[smem:$0x3FA8] =	sst s0  }
0x9: {  	[smem:$0x3FA9] =	sst s1  }
0xa: {  	[smem:$0x3FAA] =	sst s2  }
0xb: {  	[smem:$0x3FAB] =	sst s3  }
0xc: {  	[smem:$0x3FAC] =	sst s4  }
0xd: {  	[smem:$0x3FAD] =	sst s5  }
0xe: {  	[smem:$0x3FAE] =	sst s6  }
0xf: {  	[smem:$0x3FAF] =	sst s7  }
0x10: {  	[smem:$0x3FB0] =	sst s8  }
0x11: {  	[smem:$0x3FB1] =	sst s9;
	s0 =	simm.s32 @!p0 $0x0  }
0x12: {  	s1 =	sld [smem:$0x3F97];
	s0 =	simm.s32 @p0 $0x1  }
0x13: {  	[smem:$0x3FB2] =	sst s0;
	s0 =	simm.s32 @!p1 $0x0  }
0x14: {  	s2 =	sld [smem:$0x3F96];
	s0 =	simm.s32 @p1 $0x1  }
0x15: {  	[smem:$0x3FB3] =	sst s0;
	s0 =	simm.s32 @!p2 $0x0  }
0x16: {  	s3 =	sld [smem:$0x3FDB];
	s0 =	simm.s32 @p2 $0x1  }
0x17: {  	s4 =	simm.s32 $0x1BF5;
	[smem:$0x3FB5] =	sst s0  }
0x18: {  	s0 =	sld [smem:$0x3F98];
	_ =	swait.ge [sflag:s4], $0x0  }
0x19: {  	s7 =	sld [smem:$0x3F99]  }
0x1a: {  	s8 =	sadd.s32 $0xFFFFE003, lr  }
0x1b: {  	s9 =	sadd.s32 $0xFFFFFEF7, lr;
	s5 =	simm.s32 $0xFFFFFFFF;
	p2 =	slt.u32 s8, $0xFFFFF086  }
0x1c: {  	p1 =	slt.u32 s9, $0xF7A;
	s5 =	simm.s32 @!p2 $0x0  }
0x1d: {  	s5 =	simm.s32 @p1 $0x1;
	p0 =	seq.s32 s7, s2  }
0x1e: {  	s7 =	smul.u32 @!p0 $0xF7A, s2;
	p2 =	seq.s32 @!p0 s5, $0x0  }
0x1f: {  	s9 =	smul.u32 $0xF7A, s1;
	s8 =	simm.s32 @!p0 $0x1BF5;
	p2 =	por !p2, p0  }
0x20: {  	[sflag:s8] =	ssyncset.s32 @!p0 $0xFFFFF086;
	s6 =	sadd.s32 @!p0 s3, s7;
	s7 =	simm.s32 @!p0 $0x108  }
0x21: {  	s3 =	sadd.s32 s3, s9;
	s6 =	sadd.s32 @!p0 $0x88, s6;
	s7 =	simm.s32 @p2 $0x1082  }
0x22: {  	[simem:s7], [sflag:s8] =	dma.local @!p0 [hbm:s6], $0xF7A  }
0x23: {  	s9 =	sor.u32 $0xD0000000, s2;
	s6 =	simm.s32 $0x108;
	_ =	swait.ge @!p0 [sflag:s8], $0x0  }
0x24: {  	s3 =	sadd.s32 $0x88, s3;
	s6 =	simm.s32 @!p1 $0x1082;
	[sflag:s4] =	ssyncset.s32 $0xFFFFF086  }
0x25: {  	[simem:s6], [sflag:s4] =	dma.local [hbm:s3], $0xF7A  }
0x26: {  	[smem:$0x3F99] =	sst s1;
	(tag) =	ssettag s2;
	_ =	strace s9  }
0x27: {  	s1 =	sld [smem:$0x3FA9]  }
0x28: {  	s2 =	sld [smem:$0x3FAA]  }
0x29: {  	s4 =	sld [smem:$0x3FAC]  }
0x2a: {  	p0 =	seq.s32 s5, $0x0;
	s5 =	sld [smem:$0x3FAD]  }
0x2b: {  	s6 =	sld [smem:$0x3FAE]  }
0x2c: {  	s7 =	sld [smem:$0x3FAF]  }
0x2d: {  	s3 =	simm.s32 $0x108;
	s8 =	sld [smem:$0x3FB0]  }
0x2e: {  	s3 =	simm.s32 @!p0 $0x1082;
	s9 =	sld [smem:$0x3FB1]  }
0x2f: {  	lr =	sadd.s32 s0, s3;
	s0 =	sld [smem:$0x3FA8]  }
0x30: {  	s3 =	sld [smem:$0x3FAB]  }
0x31: {  	[smem:$0x3FB4] =	sst s10  }
0x32: {  	s10 =	sld [smem:$0x3FB2];
	_ =	sdelay $0x3  }
0x33: {  	p0 =	seq.s32 s10, $0x1;
	s10 =	sld [smem:$0x3FB4];
	_ =	sdelay $0x3  }
0x34: {  	[smem:$0x3FB4] =	sst s10  }
0x35: {  	s10 =	sld [smem:$0x3FB3];
	_ =	sdelay $0x3  }
0x36: {  	p1 =	seq.s32 s10, $0x1;
	s10 =	sld [smem:$0x3FB4];
	_ =	sdelay $0x3  }
0x37: {  	[smem:$0x3FB4] =	sst s10  }
0x38: {  	s10 =	sld [smem:$0x3FB5]  }
0x39: {  	_ = 	snop;
	(pc) =	sbr.ind lr, $3  }
0x3a: {  	_ = 	snop  }
0x3b: {  	_ = 	snop  }
0x3c: {  	p2 =	seq.s32 s10, $0x1;
	s10 =	sld [smem:$0x3FB4]  }
0x3d: {  	_ =	shalt  }
0x3e: {  	_ =	shalt  }
0x3f: {  	_ =	shalt  }
0x40: {  	_ =	shalt  }
0x41: {  	_ =	shalt  }
0x42: {  	_ =	shalt  }
0x43: {  	_ =	shalt  }
0x44: {  	_ =	shalt  }
0x45: {  	_ =	shalt  }
0x46: {  	_ =	shalt  }
0x47: {  	_ =	shalt  }
0x48: {  	_ =	shalt  }
0x49: {  	_ =	shalt  }
0x4a: {  	_ =	shalt  }
0x4b: {  	_ =	shalt  }
0x4c: {  	_ =	shalt  }
0x4d: {  	_ =	shalt  }
0x4e: {  	_ =	shalt  }
0x4f: {  	_ =	shalt  }
0x50: {  	_ =	shalt  }
0x51: {  	_ =	shalt  }
0x52: {  	_ =	shalt  }
0x53: {  	_ =	shalt  }
0x54: {  	_ =	shalt  }
0x55: {  	_ =	shalt  }
0x56: {  	_ =	shalt  }
0x57: {  	_ =	shalt  }
0x58: {  	_ =	shalt  }
0x59: {  	_ =	shalt  }
0x5a: {  	_ =	shalt  }
0x5b: {  	_ =	shalt  }
0x5c: {  	_ =	shalt  }
0x5d: {  	_ =	shalt  }
0x5e: {  	_ =	shalt  }
0x5f: {  	_ =	shalt  }
0x60: {  	_ =	shalt  }
0x61: {  	_ =	shalt  }
0x62: {  	_ =	shalt  }
0x63: {  	_ =	shalt  }
0x64: {  	_ =	shalt  }
0x65: {  	_ =	shalt  }
0x66: {  	_ =	shalt  }
0x67: {  	_ =	shalt  }
0x68: {  	_ =	shalt  }
0x69: {  	_ =	shalt  }
0x6a: {  	_ =	shalt  }
0x6b: {  	_ =	shalt  }
0x6c: {  	_ =	shalt  }
0x6d: {  	_ =	shalt  }
0x6e: {  	_ =	shalt  }
0x6f: {  	_ =	shalt  }
0x70: {  	_ =	shalt  }
0x71: {  	_ =	shalt  }
0x72: {  	_ =	shalt  }
0x73: {  	_ =	shalt  }
0x74: {  	_ =	shalt  }
0x75: {  	_ =	shalt  }
0x76: {  	_ =	shalt  }
0x77: {  	_ =	shalt  }
0x78: {  	_ =	shalt  }
0x79: {  	_ =	shalt  }
0x7a: {  	_ =	shalt  }
0x7b: {  	_ =	shalt  }
0x7c: {  	_ =	shalt  }
0x7d: {  	_ =	shalt  }
0x7e: {  	_ =	shalt  }
0x7f: {  	_ =	shalt  }
0x80: {  	_ =	shalt  }
0x81: {  	_ =	shalt  }
0x82: {  	_ =	shalt  }
0x83: {  	_ =	shalt  }
0x84: {  	_ =	shalt  }
0x85: {  	_ =	shalt  }
0x86: {  	_ =	shalt  }
0x87: {  	_ =	shalt  }
.Lfunc_end0:
.L_simem_size_0:
called_computation_lowered:
.L_overlay_start_0:
0x88: {  	s2 =	sld [smem:$0x3FD9]  }
0x89: {  	s3 =	sld [smem:$0x3FFE];
	_ =	sdelay $0x1  }
0x8a: {  	s1 =	srdreg.scid  }
0x8b: {  	s0 =	sand.u32 $0x1, s1  }
0x8c: {  	s17 =	sshll.u32 s0, $0xA;
	s2 =	sadd.s32 s3, s2  }
0x8d: {  	s2 =	sadd.s32 s2, s17  }
0x8e: {  	[smem:$0x3FC0] =	sst s2  }
0x8f: {  	_ = 	snop  }
0x90: {  	s2 =	sld [smem:$0x3FD0];
	(tm) =	ssettm $0x1  }
0x91: {  	s18 =	sld [smem:$0x3FFB];
	_ =	sdelay $0x3  }
0x92: {  	_ =	strace s18  }
0x93: {  	s3 =	sld [smem:$0x3FFC];
	_ =	sdelay $0x3  }
0x94: {  	_ =	strace s3  }
0x95: {  	s3 =	sld [smem:$0x3FFD];
	_ =	sdelay $0x3  }
0x96: {  	_ =	strace s3  }
0x97: {  	_ =	strace $0x8FFFFFFF  }
0x98: {  	s19 =	sld [smem:$0x3FDB];
	_ =	sdelay $0x1  }
0x99: {  	s4 =	simm.s32 $_scs_section_size  }
0x9a: {  	s5 =	simm.s32 $_size__tile_overlayer_lowered;
	s6 =	simm.s32 $_tile_overlayer_lowered  }
0x9b: {  	s22 =	simm.s32 $0x1BFF;
	s21 =	sshll.u32 s6, $0x1;
	s3 =	sadd.s32 s4, s19  }
0x9c: {  	s7 =	simm.s32 $0x0;
	s20 =	sshll.u32 s5, $0x1;
	s5 =	sadd.s32 s21, s3  }
0x9d: {  	[timem:s7], [sflag:s22] =	dma.local [hbm:s5], s20  }
0x9e: {  	_ =	swait.ge [sflag:s22], s20  }
0x9f: {  	s4 =	ssub.s32 $0x0, s20;
	[sflag:s22] =	ssyncset.done $0x0  }
0xa0: {  	[sflag:s22] =	ssyncadd.s32 s4;
	_ =	sdelay $0x1  }
0xa1: {  	s23 =	simm.s32 $0x1B8B  }
0xa2: {  	_ =	swait.ge [sflag:s23], $0x1  }
0xa3: {  	[sflag:s23] =	ssyncset.done $0x0  }
0xa4: {  	s25 =	simm.s32 $0x1B8E;
	s24 =	sld [smem:$0x3FFE];
	[sflag:s23] =	ssyncadd.s32 $0xFFFFFFFF  }
0xa5: {  	s26 =	simm.s32 $execute0_lowered;
	[smem:$0x3FD2] =	sst s25  }
0xa6: {  	s5 =	sshll.u32 s26, $0x1;
	_ =	strace $0x80000046;
	[dreg:$0x1] =	wrdreg $0xFFFFFFFF  }
0xa7: {  	s28 =	simm.s32 $_size_execute0_lowered;
	s3 =	sadd.s32 s3, s5;
	[dreg:$0x0] =	wrdreg $0x0  }
0xa8: {  	s5 =	sshll.u32 s28, $0x1;
	[dreg:$0x2] =	wrdreg s3  }
0xa9: {  	[dreg:$0x3] =	wrdreg s5  }
0xaa: {  	[dreg:$0x4] =	wrdreg $0xC0  }
0xab: {  	_ =	task [dreg:s7], $0x5FFFF  }
0xac: {  	[dreg:$0x1] =	wrdreg $0xFFFFFFFF  }
0xad: {  	[dreg:$0x0] =	wrdreg $0x60  }
0xae: {  	[dreg:$0x2] =	wrdreg s2  }
0xaf: {  	[dreg:$0x3] =	wrdreg s24  }
0xb0: {  	[dreg:$0x4] =	wrdreg $0xC4900  }
0xb1: {  	[dreg:$0x5] =	wrdreg $0x160D00  }
0xb2: {  	[dreg:$0x6] =	wrdreg $0x9  }
0xb3: {  	_ =	task.clear_ibuf [dreg:s7], $0x7FFFF;
	_ =	strace $0x90000046  }
0xb4: {  	s29 =	simm.s32 $0x9;
	_ =	strace $0x80000048  }
0xb5: {  	_ =	swait.ge [sflag:s29], $0x1  }
0xb6: {  	[sflag:s29] =	ssyncadd.s32 $0xFFFFFFFF  }
0xb7: {  	_ =	strace $0x90000048  }
0xb8: {  	_ =	sfence  }
0xb9: {  	s30 =	sld [smem:$0x0];
	_ =	sdelay $0x2  }
0xba: {  	s31 =	sshll.u32 s1, $0xD;
	s1 =	sshrl.u32 s1, $0x2  }
0xbb: {  	s3 =	sand.u32 $0x4000, s31;
	s1 =	sadd.s32 s1, s30  }
0xbc: {  	s0 =	sor.u32 s3, s0;
	s1 =	sshll.u32 s1, $0x11  }
0xbd: {  	s0 =	sor.u32 s1, s0  }
0xbe: {  	s0 =	sadd.s32 $0x8F2B, s0  }
0xbf: {  	[sflag:s0] =	ssyncadd.remote.s32 $0x1  }
0xc0: {  	_ =	sfence.sel $0xFFFF  }
0xc1: {  	[dreg:$0x0] =	wrdreg $0xFFFFFFFF;
	(pc) =	sbr.abs _section_cstart, $3  }
0xc2: {  	[dreg:$0x1] =	wrdreg $0xFFFFFFFF  }
0xc3: {  	_ =	task.clear_ibuf [dreg:s7], $0x2FFFF;
	_ =	strace $0x9FFFFFFF  }
0xc4: {  	(tm) =	ssettm $0x7FFFFFFF  }
0xc5: {  	_ =	shalt  }
tec
execute0_lowered:
.L_overlay_start_1:
0x0: {  	(tag) =	ssettag $0x1  }
0x1: {  	s1 =	rddreg [dreg:$0x0]  }
0x2: {  	s0 =	rddreg [dreg:$0x1]  }
0x3: {  	s2 =	rddreg [dreg:$0x2]  }
0x4: {  	s3 =	rddreg [dreg:$0x3];
	s4 =	simm.s32 $0x0  }
0x5: {  	s17 =	stileid.u32;
	s6 =	srdreg.scid;
	s29 =	simm.s32 $0xC440  }
0x6: {  	s30 =	simm.s32 $0x3;
	s31 =	simm.s32 $0x5;
	[smem:$0x7FF] =	sst s4  }
0x7: {  	s5 =	smul.u32 $0x9C00, s17;
	s7 =	sand.u32 $0x1, s6;
	s6 =	sadd.s32 $0x2800, s0  }
0x8: {  	s10 =	sadd.s32 $0x16200, s0;
	s12 =	sadd.s32 $0x3D600, s0;
	s18 =	smul.u32 $0x4E20, s17  }
0x9: {  	s14 =	sadd.s32 $0x3DC00, s0;
	s20 =	sadd.s32 $0x9C000, s2;
	s9 =	smul.u32 $0x4E2, s7  }
0xa: {  	p0 =	sne.s32 s17, $0x0;
	_ =	strace $0x80000047;
	s11 =	smul.u32 $0x4E200, s7  }
0xb: {  	[dreg:$0x5] =	wrdreg s12;
	s13 =	sxor.u32 $0x1, s7;
	s15 =	ssub.s32 $0x2, s7  }
0xc: {  	s7 =	smul.u32 $0x138800, s7;
	[dreg:$0x8] =	wrdreg s20;
	s20 =	simm.s32 $0x6  }
0xd: {  	s8 =	sshrl.u32 s5, $0x3;
	s13 =	smul.u32 $0x4E200, s13;
	s16 =	sshrl.u32 s15, $0x1  }
0xe: {  	s8 =	sadd.s32 s8, s0;
	s9 =	sadd.s32 s9, s0;
	s11 =	sadd.s32 s18, s11  }
0xf: {  	s15 =	ssub.s32 s15, s16;
	s11 =	sshrl.u32 s11, $0x3;
	s12 =	sadd.s32 s18, s13  }
0x10: {  	s13 =	sadd.s32 $0x3D400, s0;
	s24 =	sadd.s32 $0x8BE00, s9;
	s28 =	smax.u32 s15, $0x1  }
0x11: {  	s0 =	simm.s32 $0x4;
	s11 =	sadd.s32 s10, s11;
	[dreg:$0xa] =	wrdreg s24  }
0x12: {  	s19 =	sshrl.u32 s12, $0x3;
	[dreg:$0xd] =	wrdreg s28;
	s24 =	simm.s32 $0xB040  }
0x13: {  	[dreg:$0x6] =	wrdreg s11;
	s10 =	sadd.s32 s10, s19;
	s11 =	sadd.s32 $0x29C00, s8  }
0x14: {  	[dreg:$0x7] =	wrdreg s10;
	s10 =	sadd.s32 s5, s2;
	s5 =	sadd.s32 s5, s7  }
0x15: {  	s8 =	simm.s32 $0x0;
	s7 =	sshrl.u32 s7, $0x3;
	s21 =	sshrl.u32 s5, $0x3  }
0x16: {  	s22 =	sadd.s32 s14, s7;
	s5 =	simm.s32 $0x9BA0;
	s7 =	simm.s32 $0x9BF0  }
0x17: {  	s14 =	sadd.s32 s14, s21;
	s23 =	sadd.s32 $0x13800, s22;
	s26 =	sadd.s32 $0x27080, s22  }
0x18: {  	s21 =	simm.s32 $0x4E20;
	s22 =	simm.s32 $0x50;
	[dreg:$0x9] =	wrdreg s23  }
0x19: {  	s25 =	sadd.s32 $0x13880, s14;
	[dreg:$0xc] =	wrdreg s26;
	s23 =	simm.s32 $0x9C40  }
0x1a: {  	v0 =	vimm.f32 $1.000000000e+00;
	s26 =	simm.s32 $0x2;
	[dreg:$0xb] =	wrdreg s25;
	s25 =	simm.s32 $0x1  }
.LBB2_1:
0x1b: {  	s9 =	rddreg [dreg:$0x6]  }
0x1c: {  	[tilespmem:s4], [sflag:$0x6] =	stream.linear.gather [hbm4b:s9+s4], $0x4E20, $0x38;
	[tilespmem:$0x16348] =	vst v63  }
0x1d: {  	_ =	swait.ge [sflag:s20], $0x4E20  }
0x1e: {  	[sflag:s20] =	ssyncset.done $0x0  }
0x1f: {  	s16 =	rddreg [dreg:$0x7];
	[sflag:s20] =	ssyncadd.s32 $0xFFFFB1E0  }
0x20: {  	[tilespmem:s21], [sflag:$0x6] =	stream.linear.gather [hbm4b:s16+s4], $0x4E20, $0x38;
	[tilespmem:$0x16348] =	vst v63  }
0x21: {  	_ =	swait.ge [sflag:s20], $0x4E20  }
0x22: {  	[sflag:s20] =	ssyncset.done $0x0  }
0x23: {  	[sflag:s20] =	ssyncadd.s32 $0xFFFFB1E0  }
0x24: {  	[tilespmem:$0xC440] =	vst v0  }
0x25: {  	[tilespmem:$0xC450] =	vst v0  }
0x26: {  	s17 =	stileid.u32;
	[tilespmem:$0xC460] =	vst v0  }
0x27: {  	s9 =	sshll.u32 s17, $0x6;
	[tilespmem:$0xC470] =	vst v0  }
0x28: {  	s12 =	sshrl.u32 s10, $0x3;
	s9 =	sor.u32 $0x1C06, s9;
	[tilespmem:$0xC480] =	vst v0  }
0x29: {  	[spmem:s12], [sflag:s9] =	dma.local [hbm:s11], $0x1380  }
0x2a: {  	_ =	swait.ge [sflag:s20], $0x1380  }
0x2b: {  	[sflag:s20] =	ssyncset.done $0x0;
	s15 =	rddreg [dreg:$0x8]  }
0x2c: {  	s17 =	simm.s32 @!p0 $0x6;
	[sflag:s20] =	ssyncadd.s32 $0xFFFFEC80;
	s15 =	sshrl.u32 @!p0 s15, $0x3  }
0x2d: {  	[spmem:s15], [sflag:s9] =	dma.local @!p0 [hbm:s13], $0x80  }
0x2e: {  	_ =	swait.ge @!p0 [sflag:s17], $0x80  }
0x2f: {  	[sflag:s17] =	ssyncset.done @!p0 $0x0  }
0x30: {  	s16 =	sshrl.u32 @!p0 s3, $0x3;
	s18 =	rddreg [dreg:$0x5];
	[sflag:s17] =	ssyncadd.s32 @!p0 $0xFFFFFF80  }
0x31: {  	[spmem:s16], [sflag:s9] =	dma.local @!p0 [hbm:s18], $0x4E2  }
0x32: {  	_ =	swait.ge @!p0 [sflag:s17], $0x4E2  }
0x33: {  	[sflag:s17] =	ssyncset.done @!p0 $0x0  }
0x34: {  	[sflag:s17] =	ssyncadd.s32 @!p0 $0xFFFFFB1E  }
0x35: {  	[bflag:$0x0] =	sbarrier.arrive $0xFFFF  }
0x36: {  	[tilespmem:s23], [sflag:$0x1] =	stream.indirect.gather [hbm4b:s1+s22], $0x40, s4, s22, $0xb8;
	[tilespmem:$0x16348] =	vst v63  }
0x37: {  	_ = 	snop  }
0x38: {  	[tilespmem:s24], [sflag:$0x2] =	stream.indirect.gather [hbm4b:s1+s22], $0x40, s22, s22, $0xb8;
	[tilespmem:$0x16348] =	vst v63  }
0x39: {  	_ =	swait.ge [sflag:s25], $0x1400  }
0x3a: {  	[sflag:s25] =	ssyncset.done $0x0  }
0x3b: {  	[sflag:s25] =	ssyncadd.s32 $0xFFFFEC00  }
0x3c: {  	[spmem:s2] =	stream.indirect.scatter.add.f32 [tilespmem:s23], [sflag:$0x3], $0x40, s21, s22, $0xb8;
	[tilespmem:$0x16348] =	vst v63  }
0x3d: {  	_ =	swait.ge [sflag:s26], $0x1400  }
0x3e: {  	[sflag:s26] =	ssyncset.done $0x0  }
0x3f: {  	s18 =	simm.s32 $0x4E70;
	[sflag:s26] =	ssyncadd.s32 $0xFFFFEC00  }
0x40: {  	[spmem:s2] =	stream.indirect.scatter.add.f32 [tilespmem:s24], [sflag:$0x4], $0x40, s18, s22, $0xb8;
	[tilespmem:$0x16348] =	vst v63  }
0x41: {  	_ = 	snop  }
0x42: {  	[spmem:s3] =	stream.indirect.scatter.add.f32 [tilespmem:s29], [sflag:$0x5], $0x1, s21, s22, $0xb8;
	[tilespmem:$0x16348] =	vst v63  }
0x43: {  	_ = 	snop  }
0x44: {  	[spmem:s3] =	stream.indirect.scatter.add.f32 [tilespmem:s29], [sflag:$0x5], $0x1, s18, s22, $0xb8;
	[tilespmem:$0x16348] =	vst v63  }
0x45: {  	_ =	swait.ge [sflag:s30], $0x1400  }
0x46: {  	[sflag:s30] =	ssyncset.done $0x0  }
0x47: {  	s19 =	simm.s32 $0xA0;
	[sflag:s30] =	ssyncadd.s32 $0xFFFFEC00  }
0x48: {  	[tilespmem:s23], [sflag:$0x1] =	stream.indirect.gather [hbm4b:s1+s22], $0x40, s19, s22, $0xb8;
	[tilespmem:$0x16348] =	vst v63  }
0x49: {  	_ =	swait.ge [sflag:s0], $0x1400  }
0x4a: {  	[sflag:s0] =	ssyncset.done $0x0  }
0x4b: {  	s28 =	simm.s32 $0xF0;
	[sflag:s0] =	ssyncadd.s32 $0xFFFFEC00  }
0x4c: {  	[tilespmem:s24], [sflag:$0x2] =	stream.indirect.gather [hbm4b:s1+s22], $0x40, s28, s22, $0xb8;
	[tilespmem:$0x16348] =	vst v63  }
0x4d: {  	_ =	swait.ge [sflag:s25], $0x1400  }
0x4e: {  	[sflag:s25] =	ssyncset.done $0x0  }
0x4f: {  	s18 =	simm.s32 $0x4EC0;
	[sflag:s25] =	ssyncadd.s32 $0xFFFFEC00  }
0x50: {  	[spmem:s2] =	stream.indirect.scatter.add.f32 [tilespmem:s23], [sflag:$0x3], $0x40, s18, s22, $0xb8;
	[tilespmem:$0x16348] =	vst v63  }
0x51: {  	_ =	swait.ge [sflag:s26], $0x1400  }
0x52: {  	[sflag:s26] =	ssyncset.done $0x0  }
0x53: {  	s19 =	simm.s32 $0x4F10;
	[sflag:s26] =	ssyncadd.s32 $0xFFFFEC00  }
0x54: {  	[spmem:s2] =	stream.indirect.scatter.add.f32 [tilespmem:s24], [sflag:$0x4], $0x40, s19, s22, $0xb8;
	[tilespmem:$0x16348] =	vst v63  }
0x55: {  	_ =	swait.ge [sflag:s31], $0x50  }
0x56: {  	[sflag:s31] =	ssyncset.done $0x0  }
0x57: {  	[sflag:s31] =	ssyncadd.s32 $0xFFFFFFB0  }
0x58: {  	_ =	swait.ge [sflag:s31], $0x50  }
0x59: {  	[sflag:s31] =	ssyncset.done $0x0  }
0x5a: {  	[sflag:s31] =	ssyncadd.s32 $0xFFFFFFB0  }
0x5b: {  	[spmem:s3] =	stream.indirect.scatter.add.f32 [tilespmem:s29], [sflag:$0x5], $0x1, s18, s22, $0xb8;
	[tilespmem:$0x16348] =	vst v63  }
0x5c: {  	_ = 	snop  }
0x5d: {  	[spmem:s3] =	stream.indirect.scatter.add.f32 [tilespmem:s29], [sflag:$0x5], $0x1, s19, s22, $0xb8;
	[tilespmem:$0x16348] =	vst v63  }
0x5e: {  	_ =	swait.ge [sflag:s30], $0x1400  }
0x5f: {  	[sflag:s30] =	ssyncset.done $0x0  }
0x60: {  	s28 =	simm.s32 $0x140;
	[sflag:s30] =	ssyncadd.s32 $0xFFFFEC00  }
0x61: {  	[tilespmem:s23], [sflag:$0x1] =	stream.indirect.gather [hbm4b:s1+s22], $0x40, s28, s22, $0xb8;
	[tilespmem:$0x16348] =	vst v63  }
0x62: {  	_ =	swait.ge [sflag:s0], $0x1400  }
0x63: {  	[sflag:s0] =	ssyncset.done $0x0  }
0x64: {  	s17 =	simm.s32 $0xFFFECF00;
	s18 =	simm.s32 $0x190;
	[sflag:s0] =	ssyncadd.s32 $0xFFFFEC00  }
.LBB2_2:
0x65: {  	[tilespmem:s24], [sflag:$0x2] =	stream.indirect.gather [hbm4b:s1+s22], $0x40, s18, s22, $0xb8;
	[tilespmem:$0x16348] =	vst v63  }
0x66: {  	s18 =	smov.u32 s17  }
0x67: {  	p1 =	sne.s32 s17, $0xFFFFFD80;
	s17 =	sadd.s32 $0x280, s17;
	_ =	swait.ge [sflag:s25], $0x1400  }
0x68: {  	s18 =	sshra.s32 s18, $0x2;
	[sflag:s25] =	ssyncset.done $0x0  }
0x69: {  	s19 =	sadd.s32 $0x9BA0, s18;
	[sflag:s25] =	ssyncadd.s32 $0xFFFFEC00  }
0x6a: {  	[spmem:s2] =	stream.indirect.scatter.add.f32 [tilespmem:s23], [sflag:$0x3], $0x40, s19, s22, $0xb8;
	[tilespmem:$0x16348] =	vst v63  }
0x6b: {  	_ =	swait.ge [sflag:s26], $0x1400  }
0x6c: {  	[sflag:s26] =	ssyncset.done $0x0  }
0x6d: {  	s28 =	sadd.s32 $0x9BF0, s18;
	[sflag:s26] =	ssyncadd.s32 $0xFFFFEC00  }
0x6e: {  	[spmem:s2] =	stream.indirect.scatter.add.f32 [tilespmem:s24], [sflag:$0x4], $0x40, s28, s22, $0xb8;
	[tilespmem:$0x16348] =	vst v63  }
0x6f: {  	_ =	swait.ge [sflag:s31], $0x50  }
0x70: {  	[sflag:s31] =	ssyncset.done $0x0  }
0x71: {  	[sflag:s31] =	ssyncadd.s32 $0xFFFFFFB0  }
0x72: {  	_ =	swait.ge [sflag:s31], $0x50  }
0x73: {  	[sflag:s31] =	ssyncset.done $0x0  }
0x74: {  	[sflag:s31] =	ssyncadd.s32 $0xFFFFFFB0  }
0x75: {  	[spmem:s3] =	stream.indirect.scatter.add.f32 [tilespmem:s29], [sflag:$0x5], $0x1, s19, s22, $0xb8;
	[tilespmem:$0x16348] =	vst v63  }
0x76: {  	_ = 	snop  }
0x77: {  	[spmem:s3] =	stream.indirect.scatter.add.f32 [tilespmem:s29], [sflag:$0x5], $0x1, s28, s22, $0xb8;
	[tilespmem:$0x16348] =	vst v63  }
0x78: {  	_ =	swait.ge [sflag:s30], $0x1400  }
0x79: {  	[sflag:s30] =	ssyncset.done $0x0  }
.Ltmp0:
0x7a: {  	s19 =	sadd.s32 $0x4E20, s18;
	[sflag:s30] =	ssyncadd.s32 $0xFFFFEC00;
	(pc) =	sbr.rel @p1 .LBB2_2-.Ltmp0, $4  }
0x7b: {  	[tilespmem:s23], [sflag:$0x1] =	stream.indirect.gather [hbm4b:s1+s22], $0x40, s19, s22, $0xb8;
	[tilespmem:$0x16348] =	vst v63  }
0x7c: {  	_ =	swait.ge [sflag:s0], $0x1400  }
0x7d: {  	[sflag:s0] =	ssyncset.done $0x0  }
0x7e: {  	s18 =	sadd.s32 $0x4E70, s18;
	[sflag:s0] =	ssyncadd.s32 $0xFFFFEC00  }
0x7f: {  	[tilespmem:s24], [sflag:$0x2] =	stream.indirect.gather [hbm4b:s1+s22], $0x40, s18, s22, $0xb8;
	[tilespmem:$0x16348] =	vst v63  }
0x80: {  	_ =	swait.ge [sflag:s25], $0x1400  }
0x81: {  	[sflag:s25] =	ssyncset.done $0x0  }
0x82: {  	[sflag:s25] =	ssyncadd.s32 $0xFFFFEC00  }
0x83: {  	[spmem:s2] =	stream.indirect.scatter.add.f32 [tilespmem:s23], [sflag:$0x3], $0x40, s5, s22, $0xb8;
	[tilespmem:$0x16348] =	vst v63  }
0x84: {  	_ =	swait.ge [sflag:s26], $0x1400  }
0x85: {  	[sflag:s26] =	ssyncset.done $0x0  }
0x86: {  	[sflag:s26] =	ssyncadd.s32 $0xFFFFEC00  }
0x87: {  	[spmem:s2] =	stream.indirect.scatter.add.f32 [tilespmem:s24], [sflag:$0x4], $0x40, s7, s22, $0xb8;
	[tilespmem:$0x16348] =	vst v63  }
0x88: {  	_ = 	snop  }
0x89: {  	[spmem:s3] =	stream.indirect.scatter.add.f32 [tilespmem:s29], [sflag:$0x5], $0x1, s5, s22, $0xb8;
	[tilespmem:$0x16348] =	vst v63  }
0x8a: {  	_ = 	snop  }
0x8b: {  	[spmem:s3] =	stream.indirect.scatter.add.f32 [tilespmem:s29], [sflag:$0x5], $0x1, s7, s22, $0xb8;
	[tilespmem:$0x16348] =	vst v63  }
0x8c: {  	_ =	swait.ge [sflag:s31], $0x50  }
0x8d: {  	[sflag:s31] =	ssyncset.done $0x0  }
0x8e: {  	[sflag:s31] =	ssyncadd.s32 $0xFFFFFFB0  }
0x8f: {  	_ =	swait.ge [sflag:s31], $0x50  }
0x90: {  	[sflag:s31] =	ssyncset.done $0x0  }
0x91: {  	[sflag:s31] =	ssyncadd.s32 $0xFFFFFFB0  }
0x92: {  	_ =	swait.ge [sflag:s31], $0x50  }
0x93: {  	[sflag:s31] =	ssyncset.done $0x0  }
0x94: {  	[sflag:s31] =	ssyncadd.s32 $0xFFFFFFB0  }
0x95: {  	_ =	swait.ge [sflag:s31], $0x50  }
0x96: {  	[sflag:s31] =	ssyncset.done $0x0  }
0x97: {  	[sflag:s31] =	ssyncadd.s32 $0xFFFFFFB0  }
0x98: {  	_ =	swait.ge [sflag:s30], $0x1400  }
0x99: {  	[sflag:s30] =	ssyncset.done $0x0  }
0x9a: {  	[sflag:s30] =	ssyncadd.s32 $0xFFFFEC00  }
0x9b: {  	_ =	swait.ge [sflag:s0], $0x1400  }
0x9c: {  	[sflag:s0] =	ssyncset.done $0x0  }
0x9d: {  	[sflag:s0] =	ssyncadd.s32 $0xFFFFEC00  }
0x9e: {  	[bflag:$0x0] =	sbarrier.arrive $0xFFFF  }
0x9f: {  	[hbm:s14], [sflag:s9] =	dma.local [spmem:s12], $0x1380  }
0xa0: {  	_ =	swait.ge [sflag:s20], $0x1380  }
0xa1: {  	[sflag:s20] =	ssyncset.done $0x0  }
0xa2: {  	[sflag:s20] =	ssyncadd.s32 $0xFFFFEC80  }
0xa3: {  	s17 =	sshrl.u32 @p0 s10, $0x3;
	[bflag:$0x0] =	sbarrier.arrive @p0 $0xFFFF  }
0xa4: {  	[spmem:s17], [sflag:s9] =	dma.local @p0 [hbm:s11], $0x1380  }
0xa5: {  	s17 =	simm.s32 @p0 $0x6  }
0xa6: {  	_ =	swait.ge @p0 [sflag:s17], $0x1380  }
0xa7: {  	[sflag:s17] =	ssyncset.done @p0 $0x0  }
0xa8: {  	[sflag:s17] =	ssyncadd.s32 @p0 $0xFFFFEC80;
	s17 =	rddreg [dreg:$0x9]  }
0xa9: {  	[hbm:s17], [sflag:s9] =	dma.local @!p0 [spmem:s15], $0x80  }
0xaa: {  	s17 =	simm.s32 @!p0 $0x6  }
0xab: {  	_ =	swait.ge @!p0 [sflag:s17], $0x80  }
0xac: {  	[sflag:s17] =	ssyncset.done @!p0 $0x0  }
0xad: {  	s18 =	rddreg [dreg:$0xa];
	[sflag:s17] =	ssyncadd.s32 @!p0 $0xFFFFFF80  }
0xae: {  	[hbm:s18], [sflag:s9] =	dma.local @!p0 [spmem:s16], $0x4E2  }
0xaf: {  	_ =	swait.ge @!p0 [sflag:s17], $0x4E2  }
0xb0: {  	[sflag:s17] =	ssyncset.done @!p0 $0x0  }
0xb1: {  	[sflag:s17] =	ssyncadd.s32 @!p0 $0xFFFFFB1E  }
0xb2: {  	s16 =	sshrl.u32 @!p0 s10, $0x3;
	[bflag:$0x0] =	sbarrier.arrive @!p0 $0xFFFF  }
0xb3: {  	[spmem:s16], [sflag:s9] =	dma.local @!p0 [hbm:s11], $0x1380  }
0xb4: {  	_ =	swait.ge @!p0 [sflag:s17], $0x1380  }
0xb5: {  	[sflag:s17] =	ssyncset.done @!p0 $0x0  }
0xb6: {  	[sflag:s17] =	ssyncadd.s32 @!p0 $0xFFFFEC80  }
0xb7: {  	[spmem:s15], [sflag:s9] =	dma.local @!p0 [hbm:s13], $0x80  }
0xb8: {  	_ =	swait.ge @!p0 [sflag:s17], $0x80  }
0xb9: {  	[sflag:s17] =	ssyncset.done @!p0 $0x0  }
0xba: {  	[sflag:s17] =	ssyncadd.s32 @!p0 $0xFFFFFF80  }
0xbb: {  	s17 =	simm.s32 $0x0;
	[bflag:$0x0] =	sbarrier.arrive $0xFFFF  }
0xbc: {  	[tilespmem:s23], [sflag:$0x1] =	stream.indirect.gather [hbm4b:s6+s22], $0x40, s17, s22, $0xb8;
	[tilespmem:$0x16348] =	vst v63  }
0xbd: {  	_ = 	snop  }
0xbe: {  	[tilespmem:s24], [sflag:$0x2] =	stream.indirect.gather [hbm4b:s6+s22], $0x40, s22, s22, $0xb8;
	[tilespmem:$0x16348] =	vst v63  }
0xbf: {  	_ =	swait.ge [sflag:s25], $0x1400  }
0xc0: {  	[sflag:s25] =	ssyncset.done $0x0  }
0xc1: {  	s18 =	simm.s32 $0x4E20;
	[sflag:s25] =	ssyncadd.s32 $0xFFFFEC00  }
0xc2: {  	[spmem:s2] =	stream.indirect.scatter.add.f32 [tilespmem:s23], [sflag:$0x3], $0x40, s18, s22, $0xb8;
	[tilespmem:$0x16348] =	vst v63  }
0xc3: {  	_ =	swait.ge [sflag:s26], $0x1400  }
0xc4: {  	[sflag:s26] =	ssyncset.done $0x0  }
0xc5: {  	s19 =	simm.s32 $0x4E70;
	[sflag:s26] =	ssyncadd.s32 $0xFFFFEC00  }
0xc6: {  	[spmem:s2] =	stream.indirect.scatter.add.f32 [tilespmem:s24], [sflag:$0x4], $0x40, s19, s22, $0xb8;
	[tilespmem:$0x16348] =	vst v63  }
0xc7: {  	_ =	swait.ge [sflag:s30], $0x1400  }
0xc8: {  	[sflag:s30] =	ssyncset.done $0x0  }
0xc9: {  	s28 =	simm.s32 $0xA0;
	[sflag:s30] =	ssyncadd.s32 $0xFFFFEC00  }
0xca: {  	[tilespmem:s23], [sflag:$0x1] =	stream.indirect.gather [hbm4b:s6+s22], $0x40, s28, s22, $0xb8;
	[tilespmem:$0x16348] =	vst v63  }
0xcb: {  	_ =	swait.ge [sflag:s0], $0x1400  }
0xcc: {  	[sflag:s0] =	ssyncset.done $0x0  }
0xcd: {  	s16 =	simm.s32 $0x280;
	s17 =	simm.s32 $0xF0;
	[sflag:s0] =	ssyncadd.s32 $0xFFFFEC00  }
.LBB2_4:
0xce: {  	[tilespmem:s24], [sflag:$0x2] =	stream.indirect.gather [hbm4b:s6+s22], $0x40, s17, s22, $0xb8;
	[tilespmem:$0x16348] =	vst v63  }
0xcf: {  	s17 =	smov.u32 s16  }
0xd0: {  	p1 =	sne.s32 s16, $0x13380;
	s16 =	sadd.s32 $0x280, s16;
	_ =	swait.ge [sflag:s25], $0x1400  }
0xd1: {  	s17 =	sshra.s32 s17, $0x2;
	[sflag:s25] =	ssyncset.done $0x0  }
0xd2: {  	s18 =	sadd.s32 $0x4E20, s17;
	[sflag:s25] =	ssyncadd.s32 $0xFFFFEC00  }
0xd3: {  	[spmem:s2] =	stream.indirect.scatter.add.f32 [tilespmem:s23], [sflag:$0x3], $0x40, s18, s22, $0xb8;
	[tilespmem:$0x16348] =	vst v63  }
0xd4: {  	_ =	swait.ge [sflag:s26], $0x1400  }
0xd5: {  	[sflag:s26] =	ssyncset.done $0x0  }
0xd6: {  	s18 =	sadd.s32 $0x4E70, s17;
	[sflag:s26] =	ssyncadd.s32 $0xFFFFEC00  }
0xd7: {  	[spmem:s2] =	stream.indirect.scatter.add.f32 [tilespmem:s24], [sflag:$0x4], $0x40, s18, s22, $0xb8;
	[tilespmem:$0x16348] =	vst v63  }
0xd8: {  	_ =	swait.ge [sflag:s30], $0x1400  }
0xd9: {  	[sflag:s30] =	ssyncset.done $0x0  }
.Ltmp1:
0xda: {  	s18 =	sadd.s32 $0xA0, s17;
	[sflag:s30] =	ssyncadd.s32 $0xFFFFEC00;
	(pc) =	sbr.rel @p1 .LBB2_4-.Ltmp1, $4  }
0xdb: {  	[tilespmem:s23], [sflag:$0x1] =	stream.indirect.gather [hbm4b:s6+s22], $0x40, s18, s22, $0xb8;
	[tilespmem:$0x16348] =	vst v63  }
0xdc: {  	_ =	swait.ge [sflag:s0], $0x1400  }
0xdd: {  	[sflag:s0] =	ssyncset.done $0x0  }
0xde: {  	s17 =	sadd.s32 $0xF0, s17;
	[sflag:s0] =	ssyncadd.s32 $0xFFFFEC00  }
0xdf: {  	[tilespmem:s24], [sflag:$0x2] =	stream.indirect.gather [hbm4b:s6+s22], $0x40, s17, s22, $0xb8;
	[tilespmem:$0x16348] =	vst v63  }
0xe0: {  	_ =	swait.ge [sflag:s25], $0x1400  }
0xe1: {  	[sflag:s25] =	ssyncset.done $0x0  }
0xe2: {  	[sflag:s25] =	ssyncadd.s32 $0xFFFFEC00  }
0xe3: {  	[spmem:s2] =	stream.indirect.scatter.add.f32 [tilespmem:s23], [sflag:$0x3], $0x40, s5, s22, $0xb8;
	[tilespmem:$0x16348] =	vst v63  }
0xe4: {  	_ =	swait.ge [sflag:s26], $0x1400  }
0xe5: {  	[sflag:s26] =	ssyncset.done $0x0  }
0xe6: {  	[sflag:s26] =	ssyncadd.s32 $0xFFFFEC00  }
0xe7: {  	[spmem:s2] =	stream.indirect.scatter.add.f32 [tilespmem:s24], [sflag:$0x4], $0x40, s7, s22, $0xb8;
	[tilespmem:$0x16348] =	vst v63  }
0xe8: {  	_ =	swait.ge [sflag:s30], $0x1400  }
0xe9: {  	[sflag:s30] =	ssyncset.done $0x0  }
0xea: {  	[sflag:s30] =	ssyncadd.s32 $0xFFFFEC00  }
0xeb: {  	_ =	swait.ge [sflag:s0], $0x1400  }
0xec: {  	[sflag:s0] =	ssyncset.done $0x0  }
0xed: {  	[sflag:s0] =	ssyncadd.s32 $0xFFFFEC00  }
0xee: {  	[bflag:$0x0] =	sbarrier.arrive $0xFFFF  }
0xef: {  	s16 =	rddreg [dreg:$0xb]  }
0xf0: {  	[hbm:s16], [sflag:s9] =	dma.local [spmem:s12], $0x1380  }
0xf1: {  	_ =	swait.ge [sflag:s20], $0x1380  }
0xf2: {  	[sflag:s20] =	ssyncset.done $0x0  }
0xf3: {  	s12 =	rddreg [dreg:$0xc];
	[sflag:s20] =	ssyncadd.s32 $0xFFFFEC80  }
0xf4: {  	[hbm:s12], [sflag:s9] =	dma.local @!p0 [spmem:s15], $0x80  }
0xf5: {  	s9 =	simm.s32 @!p0 $0x6  }
0xf6: {  	_ =	swait.ge @!p0 [sflag:s9], $0x80  }
0xf7: {  	s8 =	sadd.s32 $0x1, s8;
	s28 =	rddreg [dreg:$0xd]  }
0xf8: {  	p1 =	sne.s32 s8, s28  }
.Ltmp2:
0xf9: {  	_ = 	snop;
	(pc) =	sbr.rel @p1 .LBB2_1-.Ltmp2, $3  }
0xfa: {  	[sflag:s9] =	ssyncset.done @!p0 $0x0  }
0xfb: {  	[sflag:s9] =	ssyncadd.s32 @!p0 $0xFFFFFF80  }
0xfc: {  	[bflag:$0x0] =	sbarrier.arrive $0xFFFF;
	_ =	sdelay $0x1  }
0xfd: {  	_ =	sfence.sel $0x180000  }
0xfe: {  	[bflag:$0x0] =	sbarrier.arrive $0xFFFF  }
0xff: {  	_ =	strace $0x90000047  }
0x100: {  	[bflag:$0x2] =	sbarrier.arrive $0xFFFF  }
0x101: {  	s0 =	rddreg [dreg:$0x4]  }
0x102: {  	s0 =	sadd.s32 @!p0 $0x100000, s0  }
0x103: {  	[sflag:s0] =	ssyncadd.tile.s32 @!p0 $0x1;
	_ =	shalt  }
.Lfunc_end2:
_tile_overlayer_lowered:
.L_overlay_start_2:
0x104: {  	(tag) =	ssettag $0x2  }
0x105: {  	s0 =	rddreg [dreg:$0x0];
	s2 =	stileid.u32  }
0x106: {  	s1 =	rddreg [dreg:$0x1];
	p0 =	sne.s32 s2, $0x0  }
0x107: {  	s3 =	rddreg [dreg:$0x2];
	[bflag:$0x3] =	sbarrier.arrive $0xFFFF;
	s2 =	simm.s32 @!p0 $0x1C06  }
0x108: {  	[timem:s3], [sflag:s2] =	dma.local @!p0 [hbm:s0], s1  }
0x109: {  	s0 =	simm.s32 @!p0 $0x6  }
0x10a: {  	_ =	swait.ge @!p0 [sflag:s0], s1  }
0x10b: {  	s1 =	ssub.s32 @!p0 $0x0, s1;
	[sflag:s0] =	ssyncset.done @!p0 $0x0  }
0x10c: {  	[sflag:s0] =	ssyncadd.s32 @!p0 s1  }
0x10d: {  	[bflag:$0x3] =	sbarrier.arrive $0xFFFF  }
0x10e: {  	_ =	shalt  }

</sc_bundles>
